<compile_context>
chip_gen: v7x
topology: tpu7x:2x2x1
jax: 0.10.2.dev20260603
libtpu: 0.0.44.dev20260713+nightly
codegen_flags: <defaults>
</compile_context>

<pallas_src>
import jax
import jax.numpy as jnp
from jax import lax
from jax.experimental import pallas as pl
from jax.experimental.pallas import tpu as pltpu
from jax.experimental.pallas import tpu_sc as plsc

VOCAB = 1_000_000
EMBED_DIM = 64
BATCH = 4096
HIST = 200

_L = 32768
_TC_GRID = -(-VOCAB // _L)


def _proj_body(x_ref, w_ref, o_ref):
    x = x_ref[...]
    w = w_ref[...]
    o_ref[...] = jnp.sum(x * w, axis=0)


def _project_table(e_t, w_col):
    return pl.pallas_call(
        _proj_body,
        grid=(_TC_GRID,),
        in_specs=[
            pl.BlockSpec((EMBED_DIM, _L), lambda i: (0, i)),
            pl.BlockSpec((EMBED_DIM, 1), lambda i: (0, 0)),
        ],
        out_specs=pl.BlockSpec((_L,), lambda i: (i,)),
        out_shape=jax.ShapeDtypeStruct((VOCAB,), jnp.float32),
    )(e_t, w_col)


_NW = 32
_B_PER_W = BATCH // _NW
_CHUNK = 128
_WINDOW = 32
_UNROLL = 4
_NSL = _B_PER_W // 16


_STAGE_C = 7808
_STAGE_K = 8
_STAGE_N = _STAGE_K * _STAGE_C
_STAGE_TAIL = VOCAB - 16 * _STAGE_N


def _bag_body(proj_hbm, idst_hbm, bias_hbm, out_hbm,
              idx_v, val_v, out_v, bias_v, proj_s, stage_a, stage_b,
              gsem, fsem, psem, isem):
    sid = lax.axis_index("s")
    wid = sid * 2 + lax.axis_index("c")
    base = wid * _B_PER_W

    pltpu.make_async_copy(idst_hbm.at[:, pl.ds(base, _B_PER_W)],
                          idx_v, isem).start()
    pltpu.make_async_copy(bias_hbm, bias_v, isem).start()

    bufs = (stage_a, stage_b)

    def _fetch(c):
        off = sid * _STAGE_N + c * _STAGE_C
        return pltpu.make_async_copy(proj_hbm.at[pl.ds(off, _STAGE_C)],
                                     bufs[c % 2], fsem)

    def _push(c):
        off = sid * _STAGE_N + c * _STAGE_C
        return pltpu.make_async_copy(bufs[c % 2],
                                     proj_s.at[pl.ds(off, _STAGE_C)], psem)

    _fetch(0).start()
    for c in range(_STAGE_K):
        _fetch(c).wait()
        if c >= 1:
            _push(c - 1).wait()
        _push(c).start()
        if c + 1 < _STAGE_K:
            _fetch(c + 1).start()
    _push(_STAGE_K - 1).wait()

    @pl.when(sid == 0)
    def _():
        toff = 16 * _STAGE_N
        pltpu.sync_copy(proj_hbm.at[pl.ds(toff, _STAGE_TAIL)],
                        stage_a.at[pl.ds(0, _STAGE_TAIL)])
        pltpu.sync_copy(stage_a.at[pl.ds(0, _STAGE_TAIL)],
                        proj_s.at[pl.ds(toff, _STAGE_TAIL)])

    pltpu.make_async_copy(idst_hbm.at[:, pl.ds(base, _B_PER_W)],
                          idx_v, isem).wait()
    pltpu.make_async_copy(bias_hbm, bias_v, isem).wait()
    plsc.subcore_barrier()

    def _gather(l):
        return pltpu.make_async_copy(proj_s.at[idx_v.at[l]],
                                     val_v.at[l], gsem)

    for j in range(_WINDOW):
        _gather(j).start()

    zero = jnp.zeros((16,), jnp.float32)

    def _acc_body(i, accs):
        for k in range(_UNROLL):
            l = i * _UNROLL + k
            _gather(l).wait()

            @pl.when(l < HIST - _WINDOW)
            def _(l=l):
                _gather(l + _WINDOW).start()

            accs = tuple(a + val_v[l, pl.ds(s * 16, 16)]
                         for s, a in enumerate(accs))
        return accs

    accs = lax.fori_loop(0, HIST // _UNROLL, _acc_body, (zero,) * _NSL)

    bias = bias_v[...]
    for s in range(_NSL):
        x = accs[s] + bias
        out_v[pl.ds(s * 16, 16)] = 1.0 / (1.0 + jnp.exp(-x))

    pltpu.sync_copy(out_v, out_hbm.at[pl.ds(base, _B_PER_W)])


def _bag(proj, ids_t, bias16):
    mesh = plsc.VectorSubcoreMesh(core_axis_name="c", subcore_axis_name="s")
    kern = pl.kernel(
        out_type=jax.ShapeDtypeStruct((BATCH,), jnp.float32),
        mesh=mesh,
        scratch_types=[
            pltpu.VMEM((HIST, _B_PER_W), jnp.int32),
            pltpu.VMEM((HIST, _B_PER_W), jnp.float32),
            pltpu.VMEM((_B_PER_W,), jnp.float32),
            pltpu.VMEM((16,), jnp.float32),
            pltpu.VMEM_SHARED((VOCAB,), jnp.float32),
            pltpu.VMEM((_STAGE_C,), jnp.float32),
            pltpu.VMEM((_STAGE_C,), jnp.float32),
            pltpu.SemaphoreType.DMA,
            pltpu.SemaphoreType.DMA,
            pltpu.SemaphoreType.DMA,
            pltpu.SemaphoreType.DMA,
        ],
    )(_bag_body)
    return kern(proj, ids_t, bias16)


def kernel(input_ids, embedding_matrix, linear_w, linear_b):
    e_t = embedding_matrix.T
    w_col = linear_w.reshape(EMBED_DIM, 1) / HIST
    proj = _project_table(e_t, w_col)
    ids_t = input_ids.astype(jnp.int32).T
    bias16 = jnp.broadcast_to(linear_b.astype(jnp.float32), (16,))
    out = _bag(proj, ids_t, bias16)
    return out.reshape(BATCH, 1)

# --- scband reference (transcript-rebuilt; emitter-appended) ---
"""Pipeline reference for scband-bo-wclassifier-48095043780975 (READ-ONLY COPY).

The authoritative reference and input builder live on the scoring server;
editing this copy changes nothing except your own understanding.
"""

import jax, jax.numpy as jnp
import numpy as np

VOCAB = 1000000
EMBED_DIM = 64
BATCH = 4096
HIST = 200

def setup_inputs(seed: int = 0) -> dict:
    key = jax.random.key(seed)
    k_idx, k_tab, k_w, k_b = jax.random.split(key, 4)
    input_ids = jax.random.randint(k_idx, (BATCH, HIST), 0, VOCAB, dtype=jnp.int64 if jax.config.jax_enable_x64 else jnp.int32)
    embedding_matrix = jax.random.normal(k_tab, (VOCAB, EMBED_DIM), dtype=jnp.float32) * 0.02
    linear_w = jax.random.normal(k_w, (1, EMBED_DIM), dtype=jnp.float32) * (1.0 / np.sqrt(EMBED_DIM))
    linear_b = jax.random.normal(k_b, (1,), dtype=jnp.float32) * 0.01
    return {"input_ids": input_ids, "embedding_matrix": embedding_matrix, "linear_w": linear_w, "linear_b": linear_b}

def reference(input_ids, embedding_matrix, linear_w, linear_b):
    # embedding lookup (SparseCore gather)
    embeds = jnp.take(embedding_matrix, input_ids, axis=0)  # [B, L, D]
    mean_embeds = jnp.mean(embeds, axis=1)                   # [B, D]
    logits = mean_embeds @ linear_w.T + linear_b             # [B, 1]
    return jax.nn.sigmoid(logits)

if __name__ == "__main__":
    import jax
    _d = setup_inputs()
    print(jax.jit(kernel)(*tuple(_d.values())))

</pallas_src>

<mosaic_0001>
#map = affine_map<(d0, d1) -> (0)>
#map1 = affine_map<(d0, d1) -> (0, 0)>
module attributes {stable_mosaic.version = 14 : i64} {
  func.func @_bag_body(%arg0: i32, %arg1: i32, %arg2: memref<1000000xf32, #tpu.memory_space<hbm>>, %arg3: memref<200x4096xi32, #tpu.memory_space<hbm>>, %arg4: memref<16xf32, #tpu.memory_space<hbm>>, %arg5: memref<4096xf32, #tpu.memory_space<hbm>>, %arg6: memref<200x128xi32, #tpu.memory_space<vmem>>, %arg7: memref<200x128xf32, #tpu.memory_space<vmem>>, %arg8: memref<128xf32, #tpu.memory_space<vmem>>, %arg9: memref<16xf32, #tpu.memory_space<vmem>>, %arg10: memref<1000000xf32, #tpu.memory_space<vmem_shared>>, %arg11: memref<7808xf32, #tpu.memory_space<vmem>>, %arg12: memref<7808xf32, #tpu.memory_space<vmem>>, %arg13: memref<!tpu.dma_semaphore, #tpu.memory_space<semaphore_mem>>, %arg14: memref<!tpu.dma_semaphore, #tpu.memory_space<semaphore_mem>>, %arg15: memref<!tpu.dma_semaphore, #tpu.memory_space<semaphore_mem>>, %arg16: memref<!tpu.dma_semaphore, #tpu.memory_space<semaphore_mem>>) attributes {dimension_semantics = [#tpu.dimension_semantics<core_parallel>, #tpu.dimension_semantics<subcore_parallel>], iteration_bounds = array<i64: 2, 16>, scalar_prefetch = 0 : i64, scratch_operands = 11 : i64, tpu.core_type = #tpu.core_type<sc_vector_subcore>, window_params = [{transform_indices = #map}, {transform_indices = #map1}, {transform_indices = #map}, {transform_indices = #map}]} {
    %mul3A = arith.constant 2 : i32
    %mul3A_0 = arith.muli %arg1, %mul3A : i32
    %add3A = arith.addi %mul3A_0, %arg0 : i32
    %mul3A_1 = arith.constant 128 : i32
    %mul3A_2 = arith.muli %add3A, %mul3A_1 : i32
    %dma_start3A = arith.constant 0 : i32
    %dma_start3A_3 = tpu.memref_slice %arg3[%dma_start3A, %mul3A_2] : memref<200x4096xi32, #tpu.memory_space<hbm>> -> memref<200x128xi32, #tpu.memory_space<hbm>>
    %dma_start3A_4 = arith.constant 0 : i32
    %dma_start3A_5 = tpu.memref_slice %arg3[%dma_start3A_4, %mul3A_2] : memref<200x4096xi32, #tpu.memory_space<hbm>> -> memref<200x128xi32, #tpu.memory_space<hbm>>
    tpu.enqueue_dma source(%dma_start3A_5 : memref<200x128xi32, #tpu.memory_space<hbm>>) target(%arg6 : memref<200x128xi32, #tpu.memory_space<vmem>>) target_semaphore(%arg16 : memref<!tpu.dma_semaphore, #tpu.memory_space<semaphore_mem>>)
    tpu.enqueue_dma source(%arg4 : memref<16xf32, #tpu.memory_space<hbm>>) target(%arg9 : memref<16xf32, #tpu.memory_space<vmem>>) target_semaphore(%arg16 : memref<!tpu.dma_semaphore, #tpu.memory_space<semaphore_mem>>)
    %mul3A_6 = arith.constant 62464 : i32
    %mul3A_7 = arith.muli %arg1, %mul3A_6 : i32
    %add3A_8 = arith.constant 0 : i32
    %add3A_9 = arith.addi %mul3A_7, %add3A_8 : i32
    %dma_start3A_10 = tpu.memref_slice %arg2[%add3A_9] : memref<1000000xf32, #tpu.memory_space<hbm>> -> memref<7808xf32, #tpu.memory_space<hbm>>
    %dma_start3A_11 = tpu.memref_slice %arg2[%add3A_9] : memref<1000000xf32, #tpu.memory_space<hbm>> -> memref<7808xf32, #tpu.memory_space<hbm>>
    tpu.enqueue_dma source(%dma_start3A_11 : memref<7808xf32, #tpu.memory_space<hbm>>) target(%arg11 : memref<7808xf32, #tpu.memory_space<vmem>>) target_semaphore(%arg14 : memref<!tpu.dma_semaphore, #tpu.memory_space<semaphore_mem>>)
    %mul3A_12 = arith.constant 62464 : i32
    %mul3A_13 = arith.muli %arg1, %mul3A_12 : i32
    %add3A_14 = arith.constant 0 : i32
    %add3A_15 = arith.addi %mul3A_13, %add3A_14 : i32
    %dma_wait3A = tpu.memref_slice %arg2[%add3A_15] : memref<1000000xf32, #tpu.memory_space<hbm>> -> memref<7808xf32, #tpu.memory_space<hbm>>
    %dma_wait3A_16 = tpu.memref_slice %arg2[%add3A_15] : memref<1000000xf32, #tpu.memory_space<hbm>> -> memref<7808xf32, #tpu.memory_space<hbm>>
    tpu.wait_dma2 semaphore(%arg14 : memref<!tpu.dma_semaphore, #tpu.memory_space<semaphore_mem>>) src(%dma_wait3A_16 : memref<7808xf32, #tpu.memory_space<hbm>>) dst(%arg11 : memref<7808xf32, #tpu.memory_space<vmem>>)
    %mul3A_17 = arith.constant 62464 : i32
    %mul3A_18 = arith.muli %arg1, %mul3A_17 : i32
    %add3A_19 = arith.constant 0 : i32
    %add3A_20 = arith.addi %mul3A_18, %add3A_19 : i32
    %dma_start3A_21 = tpu.memref_slice %arg10[%add3A_20] : memref<1000000xf32, #tpu.memory_space<vmem_shared>> -> memref<7808xf32, #tpu.memory_space<vmem_shared>>
    %dma_start3A_22 = tpu.memref_slice %arg10[%add3A_20] : memref<1000000xf32, #tpu.memory_space<vmem_shared>> -> memref<7808xf32, #tpu.memory_space<vmem_shared>>
    tpu.enqueue_dma source(%arg11 : memref<7808xf32, #tpu.memory_space<vmem>>) target(%dma_start3A_22 : memref<7808xf32, #tpu.memory_space<vmem_shared>>) target_semaphore(%arg15 : memref<!tpu.dma_semaphore, #tpu.memory_space<semaphore_mem>>)
    %mul3A_23 = arith.constant 62464 : i32
    %mul3A_24 = arith.muli %arg1, %mul3A_23 : i32
    %add3A_25 = arith.constant 7808 : i32
    %add3A_26 = arith.addi %mul3A_24, %add3A_25 : i32
    %dma_start3A_27 = tpu.memref_slice %arg2[%add3A_26] : memref<1000000xf32, #tpu.memory_space<hbm>> -> memref<7808xf32, #tpu.memory_space<hbm>>
    %dma_start3A_28 = tpu.memref_slice %arg2[%add3A_26] : memref<1000000xf32, #tpu.memory_space<hbm>> -> memref<7808xf32, #tpu.memory_space<hbm>>
    tpu.enqueue_dma source(%dma_start3A_28 : memref<7808xf32, #tpu.memory_space<hbm>>) target(%arg12 : memref<7808xf32, #tpu.memory_space<vmem>>) target_semaphore(%arg14 : memref<!tpu.dma_semaphore, #tpu.memory_space<semaphore_mem>>)
    %mul3A_29 = arith.constant 62464 : i32
    %mul3A_30 = arith.muli %arg1, %mul3A_29 : i32
    %add3A_31 = arith.constant 7808 : i32
    %add3A_32 = arith.addi %mul3A_30, %add3A_31 : i32
    %dma_wait3A_33 = tpu.memref_slice %arg2[%add3A_32] : memref<1000000xf32, #tpu.memory_space<hbm>> -> memref<7808xf32, #tpu.memory_space<hbm>>
    %dma_wait3A_34 = tpu.memref_slice %arg2[%add3A_32] : memref<1000000xf32, #tpu.memory_space<hbm>> -> memref<7808xf32, #tpu.memory_space<hbm>>
    tpu.wait_dma2 semaphore(%arg14 : memref<!tpu.dma_semaphore, #tpu.memory_space<semaphore_mem>>) src(%dma_wait3A_34 : memref<7808xf32, #tpu.memory_space<hbm>>) dst(%arg12 : memref<7808xf32, #tpu.memory_space<vmem>>)
    %mul3A_35 = arith.constant 62464 : i32
    %mul3A_36 = arith.muli %arg1, %mul3A_35 : i32
    %add3A_37 = arith.constant 0 : i32
    %add3A_38 = arith.addi %mul3A_36, %add3A_37 : i32
    %dma_wait3A_39 = tpu.memref_slice %arg10[%add3A_38] : memref<1000000xf32, #tpu.memory_space<vmem_shared>> -> memref<7808xf32, #tpu.memory_space<vmem_shared>>
    %dma_wait3A_40 = tpu.memref_slice %arg10[%add3A_38] : memref<1000000xf32, #tpu.memory_space<vmem_shared>> -> memref<7808xf32, #tpu.memory_space<vmem_shared>>
    tpu.wait_dma2 semaphore(%arg15 : memref<!tpu.dma_semaphore, #tpu.memory_space<semaphore_mem>>) src(%arg11 : memref<7808xf32, #tpu.memory_space<vmem>>) dst(%dma_wait3A_40 : memref<7808xf32, #tpu.memory_space<vmem_shared>>)
    %mul3A_41 = arith.constant 62464 : i32
    %mul3A_42 = arith.muli %arg1, %mul3A_41 : i32
    %add3A_43 = arith.constant 7808 : i32
    %add3A_44 = arith.addi %mul3A_42, %add3A_43 : i32
    %dma_start3A_45 = tpu.memref_slice %arg10[%add3A_44] : memref<1000000xf32, #tpu.memory_space<vmem_shared>> -> memref<7808xf32, #tpu.memory_space<vmem_shared>>
    %dma_start3A_46 = tpu.memref_slice %arg10[%add3A_44] : memref<1000000xf32, #tpu.memory_space<vmem_shared>> -> memref<7808xf32, #tpu.memory_space<vmem_shared>>
    tpu.enqueue_dma source(%arg12 : memref<7808xf32, #tpu.memory_space<vmem>>) target(%dma_start3A_46 : memref<7808xf32, #tpu.memory_space<vmem_shared>>) target_semaphore(%arg15 : memref<!tpu.dma_semaphore, #tpu.memory_space<semaphore_mem>>)
    %mul3A_47 = arith.constant 62464 : i32
    %mul3A_48 = arith.muli %arg1, %mul3A_47 : i32
    %add3A_49 = arith.constant 15616 : i32
    %add3A_50 = arith.addi %mul3A_48, %add3A_49 : i32
    %dma_start3A_51 = tpu.memref_slice %arg2[%add3A_50] : memref<1000000xf32, #tpu.memory_space<hbm>> -> memref<7808xf32, #tpu.memory_space<hbm>>
    %dma_start3A_52 = tpu.memref_slice %arg2[%add3A_50] : memref<1000000xf32, #tpu.memory_space<hbm>> -> memref<7808xf32, #tpu.memory_space<hbm>>
    tpu.enqueue_dma source(%dma_start3A_52 : memref<7808xf32, #tpu.memory_space<hbm>>) target(%arg11 : memref<7808xf32, #tpu.memory_space<vmem>>) target_semaphore(%arg14 : memref<!tpu.dma_semaphore, #tpu.memory_space<semaphore_mem>>)
    %mul3A_53 = arith.constant 62464 : i32
    %mul3A_54 = arith.muli %arg1, %mul3A_53 : i32
    %add3A_55 = arith.constant 15616 : i32
    %add3A_56 = arith.addi %mul3A_54, %add3A_55 : i32
    %dma_wait3A_57 = tpu.memref_slice %arg2[%add3A_56] : memref<1000000xf32, #tpu.memory_space<hbm>> -> memref<7808xf32, #tpu.memory_space<hbm>>
    %dma_wait3A_58 = tpu.memref_slice %arg2[%add3A_56] : memref<1000000xf32, #tpu.memory_space<hbm>> -> memref<7808xf32, #tpu.memory_space<hbm>>
    tpu.wait_dma2 semaphore(%arg14 : memref<!tpu.dma_semaphore, #tpu.memory_space<semaphore_mem>>) src(%dma_wait3A_58 : memref<7808xf32, #tpu.memory_space<hbm>>) dst(%arg11 : memref<7808xf32, #tpu.memory_space<vmem>>)
    %mul3A_59 = arith.constant 62464 : i32
    %mul3A_60 = arith.muli %arg1, %mul3A_59 : i32
    %add3A_61 = arith.constant 7808 : i32
    %add3A_62 = arith.addi %mul3A_60, %add3A_61 : i32
    %dma_wait3A_63 = tpu.memref_slice %arg10[%add3A_62] : memref<1000000xf32, #tpu.memory_space<vmem_shared>> -> memref<7808xf32, #tpu.memory_space<vmem_shared>>
    %dma_wait3A_64 = tpu.memref_slice %arg10[%add3A_62] : memref<1000000xf32, #tpu.memory_space<vmem_shared>> -> memref<7808xf32, #tpu.memory_space<vmem_shared>>
    tpu.wait_dma2 semaphore(%arg15 : memref<!tpu.dma_semaphore, #tpu.memory_space<semaphore_mem>>) src(%arg12 : memref<7808xf32, #tpu.memory_space<vmem>>) dst(%dma_wait3A_64 : memref<7808xf32, #tpu.memory_space<vmem_shared>>)
    %mul3A_65 = arith.constant 62464 : i32
    %mul3A_66 = arith.muli %arg1, %mul3A_65 : i32
    %add3A_67 = arith.constant 15616 : i32
    %add3A_68 = arith.addi %mul3A_66, %add3A_67 : i32
    %dma_start3A_69 = tpu.memref_slice %arg10[%add3A_68] : memref<1000000xf32, #tpu.memory_space<vmem_shared>> -> memref<7808xf32, #tpu.memory_space<vmem_shared>>
    %dma_start3A_70 = tpu.memref_slice %arg10[%add3A_68] : memref<1000000xf32, #tpu.memory_space<vmem_shared>> -> memref<7808xf32, #tpu.memory_space<vmem_shared>>
    tpu.enqueue_dma source(%arg11 : memref<7808xf32, #tpu.memory_space<vmem>>) target(%dma_start3A_70 : memref<7808xf32, #tpu.memory_space<vmem_shared>>) target_semaphore(%arg15 : memref<!tpu.dma_semaphore, #tpu.memory_space<semaphore_mem>>)
    %mul3A_71 = arith.constant 62464 : i32
    %mul3A_72 = arith.muli %arg1, %mul3A_71 : i32
    %add3A_73 = arith.constant 23424 : i32
    %add3A_74 = arith.addi %mul3A_72, %add3A_73 : i32
    %dma_start3A_75 = tpu.memref_slice %arg2[%add3A_74] : memref<1000000xf32, #tpu.memory_space<hbm>> -> memref<7808xf32, #tpu.memory_space<hbm>>
    %dma_start3A_76 = tpu.memref_slice %arg2[%add3A_74] : memref<1000000xf32, #tpu.memory_space<hbm>> -> memref<7808xf32, #tpu.memory_space<hbm>>
    tpu.enqueue_dma source(%dma_start3A_76 : memref<7808xf32, #tpu.memory_space<hbm>>) target(%arg12 : memref<7808xf32, #tpu.memory_space<vmem>>) target_semaphore(%arg14 : memref<!tpu.dma_semaphore, #tpu.memory_space<semaphore_mem>>)
    %mul3A_77 = arith.constant 62464 : i32
    %mul3A_78 = arith.muli %arg1, %mul3A_77 : i32
    %add3A_79 = arith.constant 23424 : i32
    %add3A_80 = arith.addi %mul3A_78, %add3A_79 : i32
    %dma_wait3A_81 = tpu.memref_slice %arg2[%add3A_80] : memref<1000000xf32, #tpu.memory_space<hbm>> -> memref<7808xf32, #tpu.memory_space<hbm>>
    %dma_wait3A_82 = tpu.memref_slice %arg2[%add3A_80] : memref<1000000xf32, #tpu.memory_space<hbm>> -> memref<7808xf32, #tpu.memory_space<hbm>>
    tpu.wait_dma2 semaphore(%arg14 : memref<!tpu.dma_semaphore, #tpu.memory_space<semaphore_mem>>) src(%dma_wait3A_82 : memref<7808xf32, #tpu.memory_space<hbm>>) dst(%arg12 : memref<7808xf32, #tpu.memory_space<vmem>>)
    %mul3A_83 = arith.constant 62464 : i32
    %mul3A_84 = arith.muli %arg1, %mul3A_83 : i32
    %add3A_85 = arith.constant 15616 : i32
    %add3A_86 = arith.addi %mul3A_84, %add3A_85 : i32
    %dma_wait3A_87 = tpu.memref_slice %arg10[%add3A_86] : memref<1000000xf32, #tpu.memory_space<vmem_shared>> -> memref<7808xf32, #tpu.memory_space<vmem_shared>>
    %dma_wait3A_88 = tpu.memref_slice %arg10[%add3A_86] : memref<1000000xf32, #tpu.memory_space<vmem_shared>> -> memref<7808xf32, #tpu.memory_space<vmem_shared>>
    tpu.wait_dma2 semaphore(%arg15 : memref<!tpu.dma_semaphore, #tpu.memory_space<semaphore_mem>>) src(%arg11 : memref<7808xf32, #tpu.memory_space<vmem>>) dst(%dma_wait3A_88 : memref<7808xf32, #tpu.memory_space<vmem_shared>>)
    %mul3A_89 = arith.constant 62464 : i32
    %mul3A_90 = arith.muli %arg1, %mul3A_89 : i32
    %add3A_91 = arith.constant 23424 : i32
    %add3A_92 = arith.addi %mul3A_90, %add3A_91 : i32
    %dma_start3A_93 = tpu.memref_slice %arg10[%add3A_92] : memref<1000000xf32, #tpu.memory_space<vmem_shared>> -> memref<7808xf32, #tpu.memory_space<vmem_shared>>
    %dma_start3A_94 = tpu.memref_slice %arg10[%add3A_92] : memref<1000000xf32, #tpu.memory_space<vmem_shared>> -> memref<7808xf32, #tpu.memory_space<vmem_shared>>
    tpu.enqueue_dma source(%arg12 : memref<7808xf32, #tpu.memory_space<vmem>>) target(%dma_start3A_94 : memref<7808xf32, #tpu.memory_space<vmem_shared>>) target_semaphore(%arg15 : memref<!tpu.dma_semaphore, #tpu.memory_space<semaphore_mem>>)
    %mul3A_95 = arith.constant 62464 : i32
    %mul3A_96 = arith.muli %arg1, %mul3A_95 : i32
    %add3A_97 = arith.constant 31232 : i32
    %add3A_98 = arith.addi %mul3A_96, %add3A_97 : i32
    %dma_start3A_99 = tpu.memref_slice %arg2[%add3A_98] : memref<1000000xf32, #tpu.memory_space<hbm>> -> memref<7808xf32, #tpu.memory_space<hbm>>
    %dma_start3A_100 = tpu.memref_slice %arg2[%add3A_98] : memref<1000000xf32, #tpu.memory_space<hbm>> -> memref<7808xf32, #tpu.memory_space<hbm>>
    tpu.enqueue_dma source(%dma_start3A_100 : memref<7808xf32, #tpu.memory_space<hbm>>) target(%arg11 : memref<7808xf32, #tpu.memory_space<vmem>>) target_semaphore(%arg14 : memref<!tpu.dma_semaphore, #tpu.memory_space<semaphore_mem>>)
    %mul3A_101 = arith.constant 62464 : i32
    %mul3A_102 = arith.muli %arg1, %mul3A_101 : i32
    %add3A_103 = arith.constant 31232 : i32
    %add3A_104 = arith.addi %mul3A_102, %add3A_103 : i32
    %dma_wait3A_105 = tpu.memref_slice %arg2[%add3A_104] : memref<1000000xf32, #tpu.memory_space<hbm>> -> memref<7808xf32, #tpu.memory_space<hbm>>
    %dma_wait3A_106 = tpu.memref_slice %arg2[%add3A_104] : memref<1000000xf32, #tpu.memory_space<hbm>> -> memref<7808xf32, #tpu.memory_space<hbm>>
    tpu.wait_dma2 semaphore(%arg14 : memref<!tpu.dma_semaphore, #tpu.memory_space<semaphore_mem>>) src(%dma_wait3A_106 : memref<7808xf32, #tpu.memory_space<hbm>>) dst(%arg11 : memref<7808xf32, #tpu.memory_space<vmem>>)
    %mul3A_107 = arith.constant 62464 : i32
    %mul3A_108 = arith.muli %arg1, %mul3A_107 : i32
    %add3A_109 = arith.constant 23424 : i32
    %add3A_110 = arith.addi %mul3A_108, %add3A_109 : i32
    %dma_wait3A_111 = tpu.memref_slice %arg10[%add3A_110] : memref<1000000xf32, #tpu.memory_space<vmem_shared>> -> memref<7808xf32, #tpu.memory_space<vmem_shared>>
    %dma_wait3A_112 = tpu.memref_slice %arg10[%add3A_110] : memref<1000000xf32, #tpu.memory_space<vmem_shared>> -> memref<7808xf32, #tpu.memory_space<vmem_shared>>
    tpu.wait_dma2 semaphore(%arg15 : memref<!tpu.dma_semaphore, #tpu.memory_space<semaphore_mem>>) src(%arg12 : memref<7808xf32, #tpu.memory_space<vmem>>) dst(%dma_wait3A_112 : memref<7808xf32, #tpu.memory_space<vmem_shared>>)
    %mul3A_113 = arith.constant 62464 : i32
    %mul3A_114 = arith.muli %arg1, %mul3A_113 : i32
    %add3A_115 = arith.constant 31232 : i32
    %add3A_116 = arith.addi %mul3A_114, %add3A_115 : i32
    %dma_start3A_117 = tpu.memref_slice %arg10[%add3A_116] : memref<1000000xf32, #tpu.memory_space<vmem_shared>> -> memref<7808xf32, #tpu.memory_space<vmem_shared>>
    %dma_start3A_118 = tpu.memref_slice %arg10[%add3A_116] : memref<1000000xf32, #tpu.memory_space<vmem_shared>> -> memref<7808xf32, #tpu.memory_space<vmem_shared>>
    tpu.enqueue_dma source(%arg11 : memref<7808xf32, #tpu.memory_space<vmem>>) target(%dma_start3A_118 : memref<7808xf32, #tpu.memory_space<vmem_shared>>) target_semaphore(%arg15 : memref<!tpu.dma_semaphore, #tpu.memory_space<semaphore_mem>>)
    %mul3A_119 = arith.constant 62464 : i32
    %mul3A_120 = arith.muli %arg1, %mul3A_119 : i32
    %add3A_121 = arith.constant 39040 : i32
    %add3A_122 = arith.addi %mul3A_120, %add3A_121 : i32
    %dma_start3A_123 = tpu.memref_slice %arg2[%add3A_122] : memref<1000000xf32, #tpu.memory_space<hbm>> -> memref<7808xf32, #tpu.memory_space<hbm>>
    %dma_start3A_124 = tpu.memref_slice %arg2[%add3A_122] : memref<1000000xf32, #tpu.memory_space<hbm>> -> memref<7808xf32, #tpu.memory_space<hbm>>
    tpu.enqueue_dma source(%dma_start3A_124 : memref<7808xf32, #tpu.memory_space<hbm>>) target(%arg12 : memref<7808xf32, #tpu.memory_space<vmem>>) target_semaphore(%arg14 : memref<!tpu.dma_semaphore, #tpu.memory_space<semaphore_mem>>)
    %mul3A_125 = arith.constant 62464 : i32
    %mul3A_126 = arith.muli %arg1, %mul3A_125 : i32
    %add3A_127 = arith.constant 39040 : i32
    %add3A_128 = arith.addi %mul3A_126, %add3A_127 : i32
    %dma_wait3A_129 = tpu.memref_slice %arg2[%add3A_128] : memref<1000000xf32, #tpu.memory_space<hbm>> -> memref<7808xf32, #tpu.memory_space<hbm>>
    %dma_wait3A_130 = tpu.memref_slice %arg2[%add3A_128] : memref<1000000xf32, #tpu.memory_space<hbm>> -> memref<7808xf32, #tpu.memory_space<hbm>>
    tpu.wait_dma2 semaphore(%arg14 : memref<!tpu.dma_semaphore, #tpu.memory_space<semaphore_mem>>) src(%dma_wait3A_130 : memref<7808xf32, #tpu.memory_space<hbm>>) dst(%arg12 : memref<7808xf32, #tpu.memory_space<vmem>>)
    %mul3A_131 = arith.constant 62464 : i32
    %mul3A_132 = arith.muli %arg1, %mul3A_131 : i32
    %add3A_133 = arith.constant 31232 : i32
    %add3A_134 = arith.addi %mul3A_132, %add3A_133 : i32
    %dma_wait3A_135 = tpu.memref_slice %arg10[%add3A_134] : memref<1000000xf32, #tpu.memory_space<vmem_shared>> -> memref<7808xf32, #tpu.memory_space<vmem_shared>>
    %dma_wait3A_136 = tpu.memref_slice %arg10[%add3A_134] : memref<1000000xf32, #tpu.memory_space<vmem_shared>> -> memref<7808xf32, #tpu.memory_space<vmem_shared>>
    tpu.wait_dma2 semaphore(%arg15 : memref<!tpu.dma_semaphore, #tpu.memory_space<semaphore_mem>>) src(%arg11 : memref<7808xf32, #tpu.memory_space<vmem>>) dst(%dma_wait3A_136 : memref<7808xf32, #tpu.memory_space<vmem_shared>>)
    %mul3A_137 = arith.constant 62464 : i32
    %mul3A_138 = arith.muli %arg1, %mul3A_137 : i32
    %add3A_139 = arith.constant 39040 : i32
    %add3A_140 = arith.addi %mul3A_138, %add3A_139 : i32
    %dma_start3A_141 = tpu.memref_slice %arg10[%add3A_140] : memref<1000000xf32, #tpu.memory_space<vmem_shared>> -> memref<7808xf32, #tpu.memory_space<vmem_shared>>
    %dma_start3A_142 = tpu.memref_slice %arg10[%add3A_140] : memref<1000000xf32, #tpu.memory_space<vmem_shared>> -> memref<7808xf32, #tpu.memory_space<vmem_shared>>
    tpu.enqueue_dma source(%arg12 : memref<7808xf32, #tpu.memory_space<vmem>>) target(%dma_start3A_142 : memref<7808xf32, #tpu.memory_space<vmem_shared>>) target_semaphore(%arg15 : memref<!tpu.dma_semaphore, #tpu.memory_space<semaphore_mem>>)
    %mul3A_143 = arith.constant 62464 : i32
    %mul3A_144 = arith.muli %arg1, %mul3A_143 : i32
    %add3A_145 = arith.constant 46848 : i32
    %add3A_146 = arith.addi %mul3A_144, %add3A_145 : i32
    %dma_start3A_147 = tpu.memref_slice %arg2[%add3A_146] : memref<1000000xf32, #tpu.memory_space<hbm>> -> memref<7808xf32, #tpu.memory_space<hbm>>
    %dma_start3A_148 = tpu.memref_slice %arg2[%add3A_146] : memref<1000000xf32, #tpu.memory_space<hbm>> -> memref<7808xf32, #tpu.memory_space<hbm>>
    tpu.enqueue_dma source(%dma_start3A_148 : memref<7808xf32, #tpu.memory_space<hbm>>) target(%arg11 : memref<7808xf32, #tpu.memory_space<vmem>>) target_semaphore(%arg14 : memref<!tpu.dma_semaphore, #tpu.memory_space<semaphore_mem>>)
    %mul3A_149 = arith.constant 62464 : i32
    %mul3A_150 = arith.muli %arg1, %mul3A_149 : i32
    %add3A_151 = arith.constant 46848 : i32
    %add3A_152 = arith.addi %mul3A_150, %add3A_151 : i32
    %dma_wait3A_153 = tpu.memref_slice %arg2[%add3A_152] : memref<1000000xf32, #tpu.memory_space<hbm>> -> memref<7808xf32, #tpu.memory_space<hbm>>
    %dma_wait3A_154 = tpu.memref_slice %arg2[%add3A_152] : memref<1000000xf32, #tpu.memory_space<hbm>> -> memref<7808xf32, #tpu.memory_space<hbm>>
    tpu.wait_dma2 semaphore(%arg14 : memref<!tpu.dma_semaphore, #tpu.memory_space<semaphore_mem>>) src(%dma_wait3A_154 : memref<7808xf32, #tpu.memory_space<hbm>>) dst(%arg11 : memref<7808xf32, #tpu.memory_space<vmem>>)
    %mul3A_155 = arith.constant 62464 : i32
    %mul3A_156 = arith.muli %arg1, %mul3A_155 : i32
    %add3A_157 = arith.constant 39040 : i32
    %add3A_158 = arith.addi %mul3A_156, %add3A_157 : i32
    %dma_wait3A_159 = tpu.memref_slice %arg10[%add3A_158] : memref<1000000xf32, #tpu.memory_space<vmem_shared>> -> memref<7808xf32, #tpu.memory_space<vmem_shared>>
    %dma_wait3A_160 = tpu.memref_slice %arg10[%add3A_158] : memref<1000000xf32, #tpu.memory_space<vmem_shared>> -> memref<7808xf32, #tpu.memory_space<vmem_shared>>
    tpu.wait_dma2 semaphore(%arg15 : memref<!tpu.dma_semaphore, #tpu.memory_space<semaphore_mem>>) src(%arg12 : memref<7808xf32, #tpu.memory_space<vmem>>) dst(%dma_wait3A_160 : memref<7808xf32, #tpu.memory_space<vmem_shared>>)
    %mul3A_161 = arith.constant 62464 : i32
    %mul3A_162 = arith.muli %arg1, %mul3A_161 : i32
    %add3A_163 = arith.constant 46848 : i32
    %add3A_164 = arith.addi %mul3A_162, %add3A_163 : i32
    %dma_start3A_165 = tpu.memref_slice %arg10[%add3A_164] : memref<1000000xf32, #tpu.memory_space<vmem_shared>> -> memref<7808xf32, #tpu.memory_space<vmem_shared>>
    %dma_start3A_166 = tpu.memref_slice %arg10[%add3A_164] : memref<1000000xf32, #tpu.memory_space<vmem_shared>> -> memref<7808xf32, #tpu.memory_space<vmem_shared>>
    tpu.enqueue_dma source(%arg11 : memref<7808xf32, #tpu.memory_space<vmem>>) target(%dma_start3A_166 : memref<7808xf32, #tpu.memory_space<vmem_shared>>) target_semaphore(%arg15 : memref<!tpu.dma_semaphore, #tpu.memory_space<semaphore_mem>>)
    %mul3A_167 = arith.constant 62464 : i32
    %mul3A_168 = arith.muli %arg1, %mul3A_167 : i32
    %add3A_169 = arith.constant 54656 : i32
    %add3A_170 = arith.addi %mul3A_168, %add3A_169 : i32
    %dma_start3A_171 = tpu.memref_slice %arg2[%add3A_170] : memref<1000000xf32, #tpu.memory_space<hbm>> -> memref<7808xf32, #tpu.memory_space<hbm>>
    %dma_start3A_172 = tpu.memref_slice %arg2[%add3A_170] : memref<1000000xf32, #tpu.memory_space<hbm>> -> memref<7808xf32, #tpu.memory_space<hbm>>
    tpu.enqueue_dma source(%dma_start3A_172 : memref<7808xf32, #tpu.memory_space<hbm>>) target(%arg12 : memref<7808xf32, #tpu.memory_space<vmem>>) target_semaphore(%arg14 : memref<!tpu.dma_semaphore, #tpu.memory_space<semaphore_mem>>)
    %mul3A_173 = arith.constant 62464 : i32
    %mul3A_174 = arith.muli %arg1, %mul3A_173 : i32
    %add3A_175 = arith.constant 54656 : i32
    %add3A_176 = arith.addi %mul3A_174, %add3A_175 : i32
    %dma_wait3A_177 = tpu.memref_slice %arg2[%add3A_176] : memref<1000000xf32, #tpu.memory_space<hbm>> -> memref<7808xf32, #tpu.memory_space<hbm>>
    %dma_wait3A_178 = tpu.memref_slice %arg2[%add3A_176] : memref<1000000xf32, #tpu.memory_space<hbm>> -> memref<7808xf32, #tpu.memory_space<hbm>>
    tpu.wait_dma2 semaphore(%arg14 : memref<!tpu.dma_semaphore, #tpu.memory_space<semaphore_mem>>) src(%dma_wait3A_178 : memref<7808xf32, #tpu.memory_space<hbm>>) dst(%arg12 : memref<7808xf32, #tpu.memory_space<vmem>>)
    %mul3A_179 = arith.constant 62464 : i32
    %mul3A_180 = arith.muli %arg1, %mul3A_179 : i32
    %add3A_181 = arith.constant 46848 : i32
    %add3A_182 = arith.addi %mul3A_180, %add3A_181 : i32
    %dma_wait3A_183 = tpu.memref_slice %arg10[%add3A_182] : memref<1000000xf32, #tpu.memory_space<vmem_shared>> -> memref<7808xf32, #tpu.memory_space<vmem_shared>>
    %dma_wait3A_184 = tpu.memref_slice %arg10[%add3A_182] : memref<1000000xf32, #tpu.memory_space<vmem_shared>> -> memref<7808xf32, #tpu.memory_space<vmem_shared>>
    tpu.wait_dma2 semaphore(%arg15 : memref<!tpu.dma_semaphore, #tpu.memory_space<semaphore_mem>>) src(%arg11 : memref<7808xf32, #tpu.memory_space<vmem>>) dst(%dma_wait3A_184 : memref<7808xf32, #tpu.memory_space<vmem_shared>>)
    %mul3A_185 = arith.constant 62464 : i32
    %mul3A_186 = arith.muli %arg1, %mul3A_185 : i32
    %add3A_187 = arith.constant 54656 : i32
    %add3A_188 = arith.addi %mul3A_186, %add3A_187 : i32
    %dma_start3A_189 = tpu.memref_slice %arg10[%add3A_188] : memref<1000000xf32, #tpu.memory_space<vmem_shared>> -> memref<7808xf32, #tpu.memory_space<vmem_shared>>
    %dma_start3A_190 = tpu.memref_slice %arg10[%add3A_188] : memref<1000000xf32, #tpu.memory_space<vmem_shared>> -> memref<7808xf32, #tpu.memory_space<vmem_shared>>
    tpu.enqueue_dma source(%arg12 : memref<7808xf32, #tpu.memory_space<vmem>>) target(%dma_start3A_190 : memref<7808xf32, #tpu.memory_space<vmem_shared>>) target_semaphore(%arg15 : memref<!tpu.dma_semaphore, #tpu.memory_space<semaphore_mem>>)
    %mul3A_191 = arith.constant 62464 : i32
    %mul3A_192 = arith.muli %arg1, %mul3A_191 : i32
    %add3A_193 = arith.constant 54656 : i32
    %add3A_194 = arith.addi %mul3A_192, %add3A_193 : i32
    %dma_wait3A_195 = tpu.memref_slice %arg10[%add3A_194] : memref<1000000xf32, #tpu.memory_space<vmem_shared>> -> memref<7808xf32, #tpu.memory_space<vmem_shared>>
    %dma_wait3A_196 = tpu.memref_slice %arg10[%add3A_194] : memref<1000000xf32, #tpu.memory_space<vmem_shared>> -> memref<7808xf32, #tpu.memory_space<vmem_shared>>
    tpu.wait_dma2 semaphore(%arg15 : memref<!tpu.dma_semaphore, #tpu.memory_space<semaphore_mem>>) src(%arg12 : memref<7808xf32, #tpu.memory_space<vmem>>) dst(%dma_wait3A_196 : memref<7808xf32, #tpu.memory_space<vmem_shared>>)
    %eq3A = arith.constant 0 : i32
    %eq3A_197 = arith.cmpi eq, %arg1, %eq3A : i32
    %convert_element_type3A = arith.extui %eq3A_197 : i1 to i32
    %cond3A = arith.constant 0 : i32
    %cond3A_198 = arith.cmpi ne, %convert_element_type3A, %cond3A : i32
    scf.if %cond3A_198 {
      "tpu.region"() ({
        %run_scoped3A = tpu.sem_alloc : memref<!tpu.dma_semaphore, #tpu.memory_space<semaphore_mem>>
        %dma_start3A_647 = arith.constant 0 : i32
        %dma_start3A_648 = tpu.memref_slice %arg11[%dma_start3A_647] : memref<7808xf32, #tpu.memory_space<vmem>> -> memref<576xf32, #tpu.memory_space<vmem>>
        %dma_start3A_649 = arith.constant 999424 : i32
        %dma_start3A_650 = tpu.memref_slice %arg2[%dma_start3A_649] : memref<1000000xf32, #tpu.memory_space<hbm>> -> memref<576xf32, #tpu.memory_space<hbm>>
        %dma_start3A_651 = arith.constant 0 : i32
        %dma_start3A_652 = tpu.memref_slice %arg11[%dma_start3A_651] : memref<7808xf32, #tpu.memory_space<vmem>> -> memref<576xf32, #tpu.memory_space<vmem>>
        %dma_start3A_653 = arith.constant 999424 : i32
        %dma_start3A_654 = tpu.memref_slice %arg2[%dma_start3A_653] : memref<1000000xf32, #tpu.memory_space<hbm>> -> memref<576xf32, #tpu.memory_space<hbm>>
        tpu.enqueue_dma source(%dma_start3A_654 : memref<576xf32, #tpu.memory_space<hbm>>) target(%dma_start3A_652 : memref<576xf32, #tpu.memory_space<vmem>>) target_semaphore(%run_scoped3A : memref<!tpu.dma_semaphore, #tpu.memory_space<semaphore_mem>>)
        %dma_wait3A_655 = arith.constant 0 : i32
        %dma_wait3A_656 = tpu.memref_slice %arg11[%dma_wait3A_655] : memref<7808xf32, #tpu.memory_space<vmem>> -> memref<576xf32, #tpu.memory_space<vmem>>
        %dma_wait3A_657 = arith.constant 999424 : i32
        %dma_wait3A_658 = tpu.memref_slice %arg2[%dma_wait3A_657] : memref<1000000xf32, #tpu.memory_space<hbm>> -> memref<576xf32, #tpu.memory_space<hbm>>
        %dma_wait3A_659 = arith.constant 0 : i32
        %dma_wait3A_660 = tpu.memref_slice %arg11[%dma_wait3A_659] : memref<7808xf32, #tpu.memory_space<vmem>> -> memref<576xf32, #tpu.memory_space<vmem>>
        %dma_wait3A_661 = arith.constant 999424 : i32
        %dma_wait3A_662 = tpu.memref_slice %arg2[%dma_wait3A_661] : memref<1000000xf32, #tpu.memory_space<hbm>> -> memref<576xf32, #tpu.memory_space<hbm>>
        tpu.wait_dma2 semaphore(%run_scoped3A : memref<!tpu.dma_semaphore, #tpu.memory_space<semaphore_mem>>) src(%dma_wait3A_662 : memref<576xf32, #tpu.memory_space<hbm>>) dst(%dma_wait3A_660 : memref<576xf32, #tpu.memory_space<vmem>>)
        tpu.yield
      }) : () -> ()
      "tpu.region"() ({
        %run_scoped3A = tpu.sem_alloc : memref<!tpu.dma_semaphore, #tpu.memory_space<semaphore_mem>>
        %dma_start3A_647 = arith.constant 0 : i32
        %dma_start3A_648 = tpu.memref_slice %arg11[%dma_start3A_647] : memref<7808xf32, #tpu.memory_space<vmem>> -> memref<576xf32, #tpu.memory_space<vmem>>
        %dma_start3A_649 = arith.constant 999424 : i32
        %dma_start3A_650 = tpu.memref_slice %arg10[%dma_start3A_649] : memref<1000000xf32, #tpu.memory_space<vmem_shared>> -> memref<576xf32, #tpu.memory_space<vmem_shared>>
        %dma_start3A_651 = arith.constant 999424 : i32
        %dma_start3A_652 = tpu.memref_slice %arg10[%dma_start3A_651] : memref<1000000xf32, #tpu.memory_space<vmem_shared>> -> memref<576xf32, #tpu.memory_space<vmem_shared>>
        %dma_start3A_653 = arith.constant 0 : i32
        %dma_start3A_654 = tpu.memref_slice %arg11[%dma_start3A_653] : memref<7808xf32, #tpu.memory_space<vmem>> -> memref<576xf32, #tpu.memory_space<vmem>>
        tpu.enqueue_dma source(%dma_start3A_654 : memref<576xf32, #tpu.memory_space<vmem>>) target(%dma_start3A_652 : memref<576xf32, #tpu.memory_space<vmem_shared>>) target_semaphore(%run_scoped3A : memref<!tpu.dma_semaphore, #tpu.memory_space<semaphore_mem>>)
        %dma_wait3A_655 = arith.constant 0 : i32
        %dma_wait3A_656 = tpu.memref_slice %arg11[%dma_wait3A_655] : memref<7808xf32, #tpu.memory_space<vmem>> -> memref<576xf32, #tpu.memory_space<vmem>>
        %dma_wait3A_657 = arith.constant 999424 : i32
        %dma_wait3A_658 = tpu.memref_slice %arg10[%dma_wait3A_657] : memref<1000000xf32, #tpu.memory_space<vmem_shared>> -> memref<576xf32, #tpu.memory_space<vmem_shared>>
        %dma_wait3A_659 = arith.constant 999424 : i32
        %dma_wait3A_660 = tpu.memref_slice %arg10[%dma_wait3A_659] : memref<1000000xf32, #tpu.memory_space<vmem_shared>> -> memref<576xf32, #tpu.memory_space<vmem_shared>>
        %dma_wait3A_661 = arith.constant 0 : i32
        %dma_wait3A_662 = tpu.memref_slice %arg11[%dma_wait3A_661] : memref<7808xf32, #tpu.memory_space<vmem>> -> memref<576xf32, #tpu.memory_space<vmem>>
        tpu.wait_dma2 semaphore(%run_scoped3A : memref<!tpu.dma_semaphore, #tpu.memory_space<semaphore_mem>>) src(%dma_wait3A_662 : memref<576xf32, #tpu.memory_space<vmem>>) dst(%dma_wait3A_660 : memref<576xf32, #tpu.memory_space<vmem_shared>>)
        tpu.yield
      }) : () -> ()
    } else {
    }
    %dma_wait3A_199 = arith.constant 0 : i32
    %dma_wait3A_200 = tpu.memref_slice %arg3[%dma_wait3A_199, %mul3A_2] : memref<200x4096xi32, #tpu.memory_space<hbm>> -> memref<200x128xi32, #tpu.memory_space<hbm>>
    %dma_wait3A_201 = arith.constant 0 : i32
    %dma_wait3A_202 = tpu.memref_slice %arg3[%dma_wait3A_201, %mul3A_2] : memref<200x4096xi32, #tpu.memory_space<hbm>> -> memref<200x128xi32, #tpu.memory_space<hbm>>
    tpu.wait_dma2 semaphore(%arg16 : memref<!tpu.dma_semaphore, #tpu.memory_space<semaphore_mem>>) src(%dma_wait3A_202 : memref<200x128xi32, #tpu.memory_space<hbm>>) dst(%arg6 : memref<200x128xi32, #tpu.memory_space<vmem>>)
    tpu.wait_dma2 semaphore(%arg16 : memref<!tpu.dma_semaphore, #tpu.memory_space<semaphore_mem>>) src(%arg4 : memref<16xf32, #tpu.memory_space<hbm>>) dst(%arg9 : memref<16xf32, #tpu.memory_space<vmem>>)
    %barrier3A = arith.constant 0 : index
    tpu.barrier barrier_id(%barrier3A)
    %dma_start3A_203 = arith.constant 0 : i32
    %dma_start3A_204 = arith.constant 0 : i32
    %dma_start3A_205 = arith.constant 0 : i32
    %dma_start3A_206 = tpu.memref_slice %arg7[%dma_start3A_204, %dma_start3A_205] : memref<200x128xf32, #tpu.memory_space<vmem>> -> memref<1x128xf32, #tpu.memory_space<vmem>>
    %dma_start3A_207 = tpu.memref_squeeze %dma_start3A_206 : memref<1x128xf32, #tpu.memory_space<vmem>> -> memref<128xf32, #tpu.memory_space<vmem>>
    %dma_start3A_208 = arith.constant 0 : i32
    %dma_start3A_209 = tpu.memref_slice %arg6[%dma_start3A_203, %dma_start3A_208] : memref<200x128xi32, #tpu.memory_space<vmem>> -> memref<1x128xi32, #tpu.memory_space<vmem>>
    %dma_start3A_210 = tpu.memref_squeeze %dma_start3A_209 : memref<1x128xi32, #tpu.memory_space<vmem>> -> memref<128xi32, #tpu.memory_space<vmem>>
    %dma_start3A_211 = arith.constant 0 : i32
    %dma_start3A_212 = tpu.memref_slice %arg10[%dma_start3A_211] : memref<1000000xf32, #tpu.memory_space<vmem_shared>> -> memref<1000000xf32, #tpu.memory_space<vmem_shared>>
    tpu.enqueue_indirect_dma source(%dma_start3A_212 : memref<1000000xf32, #tpu.memory_space<vmem_shared>>) target(%dma_start3A_207 : memref<128xf32, #tpu.memory_space<vmem>>) offsets(%dma_start3A_210 : memref<128xi32, #tpu.memory_space<vmem>>) semaphore(%arg13 : memref<!tpu.dma_semaphore, #tpu.memory_space<semaphore_mem>>)
    %dma_start3A_213 = arith.constant 1 : i32
    %dma_start3A_214 = arith.constant 1 : i32
    %dma_start3A_215 = arith.constant 0 : i32
    %dma_start3A_216 = tpu.memref_slice %arg7[%dma_start3A_214, %dma_start3A_215] : memref<200x128xf32, #tpu.memory_space<vmem>> -> memref<1x128xf32, #tpu.memory_space<vmem>>
    %dma_start3A_217 = tpu.memref_squeeze %dma_start3A_216 : memref<1x128xf32, #tpu.memory_space<vmem>> -> memref<128xf32, #tpu.memory_space<vmem>>
    %dma_start3A_218 = arith.constant 0 : i32
    %dma_start3A_219 = tpu.memref_slice %arg6[%dma_start3A_213, %dma_start3A_218] : memref<200x128xi32, #tpu.memory_space<vmem>> -> memref<1x128xi32, #tpu.memory_space<vmem>>
    %dma_start3A_220 = tpu.memref_squeeze %dma_start3A_219 : memref<1x128xi32, #tpu.memory_space<vmem>> -> memref<128xi32, #tpu.memory_space<vmem>>
    %dma_start3A_221 = arith.constant 0 : i32
    %dma_start3A_222 = tpu.memref_slice %arg10[%dma_start3A_221] : memref<1000000xf32, #tpu.memory_space<vmem_shared>> -> memref<1000000xf32, #tpu.memory_space<vmem_shared>>
    tpu.enqueue_indirect_dma source(%dma_start3A_222 : memref<1000000xf32, #tpu.memory_space<vmem_shared>>) target(%dma_start3A_217 : memref<128xf32, #tpu.memory_space<vmem>>) offsets(%dma_start3A_220 : memref<128xi32, #tpu.memory_space<vmem>>) semaphore(%arg13 : memref<!tpu.dma_semaphore, #tpu.memory_space<semaphore_mem>>)
    %dma_start3A_223 = arith.constant 2 : i32
    %dma_start3A_224 = arith.constant 2 : i32
    %dma_start3A_225 = arith.constant 0 : i32
    %dma_start3A_226 = tpu.memref_slice %arg7[%dma_start3A_224, %dma_start3A_225] : memref<200x128xf32, #tpu.memory_space<vmem>> -> memref<1x128xf32, #tpu.memory_space<vmem>>
    %dma_start3A_227 = tpu.memref_squeeze %dma_start3A_226 : memref<1x128xf32, #tpu.memory_space<vmem>> -> memref<128xf32, #tpu.memory_space<vmem>>
    %dma_start3A_228 = arith.constant 0 : i32
    %dma_start3A_229 = tpu.memref_slice %arg6[%dma_start3A_223, %dma_start3A_228] : memref<200x128xi32, #tpu.memory_space<vmem>> -> memref<1x128xi32, #tpu.memory_space<vmem>>
    %dma_start3A_230 = tpu.memref_squeeze %dma_start3A_229 : memref<1x128xi32, #tpu.memory_space<vmem>> -> memref<128xi32, #tpu.memory_space<vmem>>
    %dma_start3A_231 = arith.constant 0 : i32
    %dma_start3A_232 = tpu.memref_slice %arg10[%dma_start3A_231] : memref<1000000xf32, #tpu.memory_space<vmem_shared>> -> memref<1000000xf32, #tpu.memory_space<vmem_shared>>
    tpu.enqueue_indirect_dma source(%dma_start3A_232 : memref<1000000xf32, #tpu.memory_space<vmem_shared>>) target(%dma_start3A_227 : memref<128xf32, #tpu.memory_space<vmem>>) offsets(%dma_start3A_230 : memref<128xi32, #tpu.memory_space<vmem>>) semaphore(%arg13 : memref<!tpu.dma_semaphore, #tpu.memory_space<semaphore_mem>>)
    %dma_start3A_233 = arith.constant 3 : i32
    %dma_start3A_234 = arith.constant 3 : i32
    %dma_start3A_235 = arith.constant 0 : i32
    %dma_start3A_236 = tpu.memref_slice %arg7[%dma_start3A_234, %dma_start3A_235] : memref<200x128xf32, #tpu.memory_space<vmem>> -> memref<1x128xf32, #tpu.memory_space<vmem>>
    %dma_start3A_237 = tpu.memref_squeeze %dma_start3A_236 : memref<1x128xf32, #tpu.memory_space<vmem>> -> memref<128xf32, #tpu.memory_space<vmem>>
    %dma_start3A_238 = arith.constant 0 : i32
    %dma_start3A_239 = tpu.memref_slice %arg6[%dma_start3A_233, %dma_start3A_238] : memref<200x128xi32, #tpu.memory_space<vmem>> -> memref<1x128xi32, #tpu.memory_space<vmem>>
    %dma_start3A_240 = tpu.memref_squeeze %dma_start3A_239 : memref<1x128xi32, #tpu.memory_space<vmem>> -> memref<128xi32, #tpu.memory_space<vmem>>
    %dma_start3A_241 = arith.constant 0 : i32
    %dma_start3A_242 = tpu.memref_slice %arg10[%dma_start3A_241] : memref<1000000xf32, #tpu.memory_space<vmem_shared>> -> memref<1000000xf32, #tpu.memory_space<vmem_shared>>
    tpu.enqueue_indirect_dma source(%dma_start3A_242 : memref<1000000xf32, #tpu.memory_space<vmem_shared>>) target(%dma_start3A_237 : memref<128xf32, #tpu.memory_space<vmem>>) offsets(%dma_start3A_240 : memref<128xi32, #tpu.memory_space<vmem>>) semaphore(%arg13 : memref<!tpu.dma_semaphore, #tpu.memory_space<semaphore_mem>>)
    %dma_start3A_243 = arith.constant 4 : i32
    %dma_start3A_244 = arith.constant 4 : i32
    %dma_start3A_245 = arith.constant 0 : i32
    %dma_start3A_246 = tpu.memref_slice %arg7[%dma_start3A_244, %dma_start3A_245] : memref<200x128xf32, #tpu.memory_space<vmem>> -> memref<1x128xf32, #tpu.memory_space<vmem>>
    %dma_start3A_247 = tpu.memref_squeeze %dma_start3A_246 : memref<1x128xf32, #tpu.memory_space<vmem>> -> memref<128xf32, #tpu.memory_space<vmem>>
    %dma_start3A_248 = arith.constant 0 : i32
    %dma_start3A_249 = tpu.memref_slice %arg6[%dma_start3A_243, %dma_start3A_248] : memref<200x128xi32, #tpu.memory_space<vmem>> -> memref<1x128xi32, #tpu.memory_space<vmem>>
    %dma_start3A_250 = tpu.memref_squeeze %dma_start3A_249 : memref<1x128xi32, #tpu.memory_space<vmem>> -> memref<128xi32, #tpu.memory_space<vmem>>
    %dma_start3A_251 = arith.constant 0 : i32
    %dma_start3A_252 = tpu.memref_slice %arg10[%dma_start3A_251] : memref<1000000xf32, #tpu.memory_space<vmem_shared>> -> memref<1000000xf32, #tpu.memory_space<vmem_shared>>
    tpu.enqueue_indirect_dma source(%dma_start3A_252 : memref<1000000xf32, #tpu.memory_space<vmem_shared>>) target(%dma_start3A_247 : memref<128xf32, #tpu.memory_space<vmem>>) offsets(%dma_start3A_250 : memref<128xi32, #tpu.memory_space<vmem>>) semaphore(%arg13 : memref<!tpu.dma_semaphore, #tpu.memory_space<semaphore_mem>>)
    %dma_start3A_253 = arith.constant 5 : i32
    %dma_start3A_254 = arith.constant 5 : i32
    %dma_start3A_255 = arith.constant 0 : i32
    %dma_start3A_256 = tpu.memref_slice %arg7[%dma_start3A_254, %dma_start3A_255] : memref<200x128xf32, #tpu.memory_space<vmem>> -> memref<1x128xf32, #tpu.memory_space<vmem>>
    %dma_start3A_257 = tpu.memref_squeeze %dma_start3A_256 : memref<1x128xf32, #tpu.memory_space<vmem>> -> memref<128xf32, #tpu.memory_space<vmem>>
    %dma_start3A_258 = arith.constant 0 : i32
    %dma_start3A_259 = tpu.memref_slice %arg6[%dma_start3A_253, %dma_start3A_258] : memref<200x128xi32, #tpu.memory_space<vmem>> -> memref<1x128xi32, #tpu.memory_space<vmem>>
    %dma_start3A_260 = tpu.memref_squeeze %dma_start3A_259 : memref<1x128xi32, #tpu.memory_space<vmem>> -> memref<128xi32, #tpu.memory_space<vmem>>
    %dma_start3A_261 = arith.constant 0 : i32
    %dma_start3A_262 = tpu.memref_slice %arg10[%dma_start3A_261] : memref<1000000xf32, #tpu.memory_space<vmem_shared>> -> memref<1000000xf32, #tpu.memory_space<vmem_shared>>
    tpu.enqueue_indirect_dma source(%dma_start3A_262 : memref<1000000xf32, #tpu.memory_space<vmem_shared>>) target(%dma_start3A_257 : memref<128xf32, #tpu.memory_space<vmem>>) offsets(%dma_start3A_260 : memref<128xi32, #tpu.memory_space<vmem>>) semaphore(%arg13 : memref<!tpu.dma_semaphore, #tpu.memory_space<semaphore_mem>>)
    %dma_start3A_263 = arith.constant 6 : i32
    %dma_start3A_264 = arith.constant 6 : i32
    %dma_start3A_265 = arith.constant 0 : i32
    %dma_start3A_266 = tpu.memref_slice %arg7[%dma_start3A_264, %dma_start3A_265] : memref<200x128xf32, #tpu.memory_space<vmem>> -> memref<1x128xf32, #tpu.memory_space<vmem>>
    %dma_start3A_267 = tpu.memref_squeeze %dma_start3A_266 : memref<1x128xf32, #tpu.memory_space<vmem>> -> memref<128xf32, #tpu.memory_space<vmem>>
    %dma_start3A_268 = arith.constant 0 : i32
    %dma_start3A_269 = tpu.memref_slice %arg6[%dma_start3A_263, %dma_start3A_268] : memref<200x128xi32, #tpu.memory_space<vmem>> -> memref<1x128xi32, #tpu.memory_space<vmem>>
    %dma_start3A_270 = tpu.memref_squeeze %dma_start3A_269 : memref<1x128xi32, #tpu.memory_space<vmem>> -> memref<128xi32, #tpu.memory_space<vmem>>
    %dma_start3A_271 = arith.constant 0 : i32
    %dma_start3A_272 = tpu.memref_slice %arg10[%dma_start3A_271] : memref<1000000xf32, #tpu.memory_space<vmem_shared>> -> memref<1000000xf32, #tpu.memory_space<vmem_shared>>
    tpu.enqueue_indirect_dma source(%dma_start3A_272 : memref<1000000xf32, #tpu.memory_space<vmem_shared>>) target(%dma_start3A_267 : memref<128xf32, #tpu.memory_space<vmem>>) offsets(%dma_start3A_270 : memref<128xi32, #tpu.memory_space<vmem>>) semaphore(%arg13 : memref<!tpu.dma_semaphore, #tpu.memory_space<semaphore_mem>>)
    %dma_start3A_273 = arith.constant 7 : i32
    %dma_start3A_274 = arith.constant 7 : i32
    %dma_start3A_275 = arith.constant 0 : i32
    %dma_start3A_276 = tpu.memref_slice %arg7[%dma_start3A_274, %dma_start3A_275] : memref<200x128xf32, #tpu.memory_space<vmem>> -> memref<1x128xf32, #tpu.memory_space<vmem>>
    %dma_start3A_277 = tpu.memref_squeeze %dma_start3A_276 : memref<1x128xf32, #tpu.memory_space<vmem>> -> memref<128xf32, #tpu.memory_space<vmem>>
    %dma_start3A_278 = arith.constant 0 : i32
    %dma_start3A_279 = tpu.memref_slice %arg6[%dma_start3A_273, %dma_start3A_278] : memref<200x128xi32, #tpu.memory_space<vmem>> -> memref<1x128xi32, #tpu.memory_space<vmem>>
    %dma_start3A_280 = tpu.memref_squeeze %dma_start3A_279 : memref<1x128xi32, #tpu.memory_space<vmem>> -> memref<128xi32, #tpu.memory_space<vmem>>
    %dma_start3A_281 = arith.constant 0 : i32
    %dma_start3A_282 = tpu.memref_slice %arg10[%dma_start3A_281] : memref<1000000xf32, #tpu.memory_space<vmem_shared>> -> memref<1000000xf32, #tpu.memory_space<vmem_shared>>
    tpu.enqueue_indirect_dma source(%dma_start3A_282 : memref<1000000xf32, #tpu.memory_space<vmem_shared>>) target(%dma_start3A_277 : memref<128xf32, #tpu.memory_space<vmem>>) offsets(%dma_start3A_280 : memref<128xi32, #tpu.memory_space<vmem>>) semaphore(%arg13 : memref<!tpu.dma_semaphore, #tpu.memory_space<semaphore_mem>>)
    %dma_start3A_283 = arith.constant 8 : i32
    %dma_start3A_284 = arith.constant 8 : i32
    %dma_start3A_285 = arith.constant 0 : i32
    %dma_start3A_286 = tpu.memref_slice %arg7[%dma_start3A_284, %dma_start3A_285] : memref<200x128xf32, #tpu.memory_space<vmem>> -> memref<1x128xf32, #tpu.memory_space<vmem>>
    %dma_start3A_287 = tpu.memref_squeeze %dma_start3A_286 : memref<1x128xf32, #tpu.memory_space<vmem>> -> memref<128xf32, #tpu.memory_space<vmem>>
    %dma_start3A_288 = arith.constant 0 : i32
    %dma_start3A_289 = tpu.memref_slice %arg6[%dma_start3A_283, %dma_start3A_288] : memref<200x128xi32, #tpu.memory_space<vmem>> -> memref<1x128xi32, #tpu.memory_space<vmem>>
    %dma_start3A_290 = tpu.memref_squeeze %dma_start3A_289 : memref<1x128xi32, #tpu.memory_space<vmem>> -> memref<128xi32, #tpu.memory_space<vmem>>
    %dma_start3A_291 = arith.constant 0 : i32
    %dma_start3A_292 = tpu.memref_slice %arg10[%dma_start3A_291] : memref<1000000xf32, #tpu.memory_space<vmem_shared>> -> memref<1000000xf32, #tpu.memory_space<vmem_shared>>
    tpu.enqueue_indirect_dma source(%dma_start3A_292 : memref<1000000xf32, #tpu.memory_space<vmem_shared>>) target(%dma_start3A_287 : memref<128xf32, #tpu.memory_space<vmem>>) offsets(%dma_start3A_290 : memref<128xi32, #tpu.memory_space<vmem>>) semaphore(%arg13 : memref<!tpu.dma_semaphore, #tpu.memory_space<semaphore_mem>>)
    %dma_start3A_293 = arith.constant 9 : i32
    %dma_start3A_294 = arith.constant 9 : i32
    %dma_start3A_295 = arith.constant 0 : i32
    %dma_start3A_296 = tpu.memref_slice %arg7[%dma_start3A_294, %dma_start3A_295] : memref<200x128xf32, #tpu.memory_space<vmem>> -> memref<1x128xf32, #tpu.memory_space<vmem>>
    %dma_start3A_297 = tpu.memref_squeeze %dma_start3A_296 : memref<1x128xf32, #tpu.memory_space<vmem>> -> memref<128xf32, #tpu.memory_space<vmem>>
    %dma_start3A_298 = arith.constant 0 : i32
    %dma_start3A_299 = tpu.memref_slice %arg6[%dma_start3A_293, %dma_start3A_298] : memref<200x128xi32, #tpu.memory_space<vmem>> -> memref<1x128xi32, #tpu.memory_space<vmem>>
    %dma_start3A_300 = tpu.memref_squeeze %dma_start3A_299 : memref<1x128xi32, #tpu.memory_space<vmem>> -> memref<128xi32, #tpu.memory_space<vmem>>
    %dma_start3A_301 = arith.constant 0 : i32
    %dma_start3A_302 = tpu.memref_slice %arg10[%dma_start3A_301] : memref<1000000xf32, #tpu.memory_space<vmem_shared>> -> memref<1000000xf32, #tpu.memory_space<vmem_shared>>
    tpu.enqueue_indirect_dma source(%dma_start3A_302 : memref<1000000xf32, #tpu.memory_space<vmem_shared>>) target(%dma_start3A_297 : memref<128xf32, #tpu.memory_space<vmem>>) offsets(%dma_start3A_300 : memref<128xi32, #tpu.memory_space<vmem>>) semaphore(%arg13 : memref<!tpu.dma_semaphore, #tpu.memory_space<semaphore_mem>>)
    %dma_start3A_303 = arith.constant 10 : i32
    %dma_start3A_304 = arith.constant 10 : i32
    %dma_start3A_305 = arith.constant 0 : i32
    %dma_start3A_306 = tpu.memref_slice %arg7[%dma_start3A_304, %dma_start3A_305] : memref<200x128xf32, #tpu.memory_space<vmem>> -> memref<1x128xf32, #tpu.memory_space<vmem>>
    %dma_start3A_307 = tpu.memref_squeeze %dma_start3A_306 : memref<1x128xf32, #tpu.memory_space<vmem>> -> memref<128xf32, #tpu.memory_space<vmem>>
    %dma_start3A_308 = arith.constant 0 : i32
    %dma_start3A_309 = tpu.memref_slice %arg6[%dma_start3A_303, %dma_start3A_308] : memref<200x128xi32, #tpu.memory_space<vmem>> -> memref<1x128xi32, #tpu.memory_space<vmem>>
    %dma_start3A_310 = tpu.memref_squeeze %dma_start3A_309 : memref<1x128xi32, #tpu.memory_space<vmem>> -> memref<128xi32, #tpu.memory_space<vmem>>
    %dma_start3A_311 = arith.constant 0 : i32
    %dma_start3A_312 = tpu.memref_slice %arg10[%dma_start3A_311] : memref<1000000xf32, #tpu.memory_space<vmem_shared>> -> memref<1000000xf32, #tpu.memory_space<vmem_shared>>
    tpu.enqueue_indirect_dma source(%dma_start3A_312 : memref<1000000xf32, #tpu.memory_space<vmem_shared>>) target(%dma_start3A_307 : memref<128xf32, #tpu.memory_space<vmem>>) offsets(%dma_start3A_310 : memref<128xi32, #tpu.memory_space<vmem>>) semaphore(%arg13 : memref<!tpu.dma_semaphore, #tpu.memory_space<semaphore_mem>>)
    %dma_start3A_313 = arith.constant 11 : i32
    %dma_start3A_314 = arith.constant 11 : i32
    %dma_start3A_315 = arith.constant 0 : i32
    %dma_start3A_316 = tpu.memref_slice %arg7[%dma_start3A_314, %dma_start3A_315] : memref<200x128xf32, #tpu.memory_space<vmem>> -> memref<1x128xf32, #tpu.memory_space<vmem>>
    %dma_start3A_317 = tpu.memref_squeeze %dma_start3A_316 : memref<1x128xf32, #tpu.memory_space<vmem>> -> memref<128xf32, #tpu.memory_space<vmem>>
    %dma_start3A_318 = arith.constant 0 : i32
    %dma_start3A_319 = tpu.memref_slice %arg6[%dma_start3A_313, %dma_start3A_318] : memref<200x128xi32, #tpu.memory_space<vmem>> -> memref<1x128xi32, #tpu.memory_space<vmem>>
    %dma_start3A_320 = tpu.memref_squeeze %dma_start3A_319 : memref<1x128xi32, #tpu.memory_space<vmem>> -> memref<128xi32, #tpu.memory_space<vmem>>
    %dma_start3A_321 = arith.constant 0 : i32
    %dma_start3A_322 = tpu.memref_slice %arg10[%dma_start3A_321] : memref<1000000xf32, #tpu.memory_space<vmem_shared>> -> memref<1000000xf32, #tpu.memory_space<vmem_shared>>
    tpu.enqueue_indirect_dma source(%dma_start3A_322 : memref<1000000xf32, #tpu.memory_space<vmem_shared>>) target(%dma_start3A_317 : memref<128xf32, #tpu.memory_space<vmem>>) offsets(%dma_start3A_320 : memref<128xi32, #tpu.memory_space<vmem>>) semaphore(%arg13 : memref<!tpu.dma_semaphore, #tpu.memory_space<semaphore_mem>>)
    %dma_start3A_323 = arith.constant 12 : i32
    %dma_start3A_324 = arith.constant 12 : i32
    %dma_start3A_325 = arith.constant 0 : i32
    %dma_start3A_326 = tpu.memref_slice %arg7[%dma_start3A_324, %dma_start3A_325] : memref<200x128xf32, #tpu.memory_space<vmem>> -> memref<1x128xf32, #tpu.memory_space<vmem>>
    %dma_start3A_327 = tpu.memref_squeeze %dma_start3A_326 : memref<1x128xf32, #tpu.memory_space<vmem>> -> memref<128xf32, #tpu.memory_space<vmem>>
    %dma_start3A_328 = arith.constant 0 : i32
    %dma_start3A_329 = tpu.memref_slice %arg6[%dma_start3A_323, %dma_start3A_328] : memref<200x128xi32, #tpu.memory_space<vmem>> -> memref<1x128xi32, #tpu.memory_space<vmem>>
    %dma_start3A_330 = tpu.memref_squeeze %dma_start3A_329 : memref<1x128xi32, #tpu.memory_space<vmem>> -> memref<128xi32, #tpu.memory_space<vmem>>
    %dma_start3A_331 = arith.constant 0 : i32
    %dma_start3A_332 = tpu.memref_slice %arg10[%dma_start3A_331] : memref<1000000xf32, #tpu.memory_space<vmem_shared>> -> memref<1000000xf32, #tpu.memory_space<vmem_shared>>
    tpu.enqueue_indirect_dma source(%dma_start3A_332 : memref<1000000xf32, #tpu.memory_space<vmem_shared>>) target(%dma_start3A_327 : memref<128xf32, #tpu.memory_space<vmem>>) offsets(%dma_start3A_330 : memref<128xi32, #tpu.memory_space<vmem>>) semaphore(%arg13 : memref<!tpu.dma_semaphore, #tpu.memory_space<semaphore_mem>>)
    %dma_start3A_333 = arith.constant 13 : i32
    %dma_start3A_334 = arith.constant 13 : i32
    %dma_start3A_335 = arith.constant 0 : i32
    %dma_start3A_336 = tpu.memref_slice %arg7[%dma_start3A_334, %dma_start3A_335] : memref<200x128xf32, #tpu.memory_space<vmem>> -> memref<1x128xf32, #tpu.memory_space<vmem>>
    %dma_start3A_337 = tpu.memref_squeeze %dma_start3A_336 : memref<1x128xf32, #tpu.memory_space<vmem>> -> memref<128xf32, #tpu.memory_space<vmem>>
    %dma_start3A_338 = arith.constant 0 : i32
    %dma_start3A_339 = tpu.memref_slice %arg6[%dma_start3A_333, %dma_start3A_338] : memref<200x128xi32, #tpu.memory_space<vmem>> -> memref<1x128xi32, #tpu.memory_space<vmem>>
    %dma_start3A_340 = tpu.memref_squeeze %dma_start3A_339 : memref<1x128xi32, #tpu.memory_space<vmem>> -> memref<128xi32, #tpu.memory_space<vmem>>
    %dma_start3A_341 = arith.constant 0 : i32
    %dma_start3A_342 = tpu.memref_slice %arg10[%dma_start3A_341] : memref<1000000xf32, #tpu.memory_space<vmem_shared>> -> memref<1000000xf32, #tpu.memory_space<vmem_shared>>
    tpu.enqueue_indirect_dma source(%dma_start3A_342 : memref<1000000xf32, #tpu.memory_space<vmem_shared>>) target(%dma_start3A_337 : memref<128xf32, #tpu.memory_space<vmem>>) offsets(%dma_start3A_340 : memref<128xi32, #tpu.memory_space<vmem>>) semaphore(%arg13 : memref<!tpu.dma_semaphore, #tpu.memory_space<semaphore_mem>>)
    %dma_start3A_343 = arith.constant 14 : i32
    %dma_start3A_344 = arith.constant 14 : i32
    %dma_start3A_345 = arith.constant 0 : i32
    %dma_start3A_346 = tpu.memref_slice %arg7[%dma_start3A_344, %dma_start3A_345] : memref<200x128xf32, #tpu.memory_space<vmem>> -> memref<1x128xf32, #tpu.memory_space<vmem>>
    %dma_start3A_347 = tpu.memref_squeeze %dma_start3A_346 : memref<1x128xf32, #tpu.memory_space<vmem>> -> memref<128xf32, #tpu.memory_space<vmem>>
    %dma_start3A_348 = arith.constant 0 : i32
    %dma_start3A_349 = tpu.memref_slice %arg6[%dma_start3A_343, %dma_start3A_348] : memref<200x128xi32, #tpu.memory_space<vmem>> -> memref<1x128xi32, #tpu.memory_space<vmem>>
    %dma_start3A_350 = tpu.memref_squeeze %dma_start3A_349 : memref<1x128xi32, #tpu.memory_space<vmem>> -> memref<128xi32, #tpu.memory_space<vmem>>
    %dma_start3A_351 = arith.constant 0 : i32
    %dma_start3A_352 = tpu.memref_slice %arg10[%dma_start3A_351] : memref<1000000xf32, #tpu.memory_space<vmem_shared>> -> memref<1000000xf32, #tpu.memory_space<vmem_shared>>
    tpu.enqueue_indirect_dma source(%dma_start3A_352 : memref<1000000xf32, #tpu.memory_space<vmem_shared>>) target(%dma_start3A_347 : memref<128xf32, #tpu.memory_space<vmem>>) offsets(%dma_start3A_350 : memref<128xi32, #tpu.memory_space<vmem>>) semaphore(%arg13 : memref<!tpu.dma_semaphore, #tpu.memory_space<semaphore_mem>>)
    %dma_start3A_353 = arith.constant 15 : i32
    %dma_start3A_354 = arith.constant 15 : i32
    %dma_start3A_355 = arith.constant 0 : i32
    %dma_start3A_356 = tpu.memref_slice %arg7[%dma_start3A_354, %dma_start3A_355] : memref<200x128xf32, #tpu.memory_space<vmem>> -> memref<1x128xf32, #tpu.memory_space<vmem>>
    %dma_start3A_357 = tpu.memref_squeeze %dma_start3A_356 : memref<1x128xf32, #tpu.memory_space<vmem>> -> memref<128xf32, #tpu.memory_space<vmem>>
    %dma_start3A_358 = arith.constant 0 : i32
    %dma_start3A_359 = tpu.memref_slice %arg6[%dma_start3A_353, %dma_start3A_358] : memref<200x128xi32, #tpu.memory_space<vmem>> -> memref<1x128xi32, #tpu.memory_space<vmem>>
    %dma_start3A_360 = tpu.memref_squeeze %dma_start3A_359 : memref<1x128xi32, #tpu.memory_space<vmem>> -> memref<128xi32, #tpu.memory_space<vmem>>
    %dma_start3A_361 = arith.constant 0 : i32
    %dma_start3A_362 = tpu.memref_slice %arg10[%dma_start3A_361] : memref<1000000xf32, #tpu.memory_space<vmem_shared>> -> memref<1000000xf32, #tpu.memory_space<vmem_shared>>
    tpu.enqueue_indirect_dma source(%dma_start3A_362 : memref<1000000xf32, #tpu.memory_space<vmem_shared>>) target(%dma_start3A_357 : memref<128xf32, #tpu.memory_space<vmem>>) offsets(%dma_start3A_360 : memref<128xi32, #tpu.memory_space<vmem>>) semaphore(%arg13 : memref<!tpu.dma_semaphore, #tpu.memory_space<semaphore_mem>>)
    %dma_start3A_363 = arith.constant 16 : i32
    %dma_start3A_364 = arith.constant 16 : i32
    %dma_start3A_365 = arith.constant 0 : i32
    %dma_start3A_366 = tpu.memref_slice %arg7[%dma_start3A_364, %dma_start3A_365] : memref<200x128xf32, #tpu.memory_space<vmem>> -> memref<1x128xf32, #tpu.memory_space<vmem>>
    %dma_start3A_367 = tpu.memref_squeeze %dma_start3A_366 : memref<1x128xf32, #tpu.memory_space<vmem>> -> memref<128xf32, #tpu.memory_space<vmem>>
    %dma_start3A_368 = arith.constant 0 : i32
    %dma_start3A_369 = tpu.memref_slice %arg6[%dma_start3A_363, %dma_start3A_368] : memref<200x128xi32, #tpu.memory_space<vmem>> -> memref<1x128xi32, #tpu.memory_space<vmem>>
    %dma_start3A_370 = tpu.memref_squeeze %dma_start3A_369 : memref<1x128xi32, #tpu.memory_space<vmem>> -> memref<128xi32, #tpu.memory_space<vmem>>
    %dma_start3A_371 = arith.constant 0 : i32
    %dma_start3A_372 = tpu.memref_slice %arg10[%dma_start3A_371] : memref<1000000xf32, #tpu.memory_space<vmem_shared>> -> memref<1000000xf32, #tpu.memory_space<vmem_shared>>
    tpu.enqueue_indirect_dma source(%dma_start3A_372 : memref<1000000xf32, #tpu.memory_space<vmem_shared>>) target(%dma_start3A_367 : memref<128xf32, #tpu.memory_space<vmem>>) offsets(%dma_start3A_370 : memref<128xi32, #tpu.memory_space<vmem>>) semaphore(%arg13 : memref<!tpu.dma_semaphore, #tpu.memory_space<semaphore_mem>>)
    %dma_start3A_373 = arith.constant 17 : i32
    %dma_start3A_374 = arith.constant 17 : i32
    %dma_start3A_375 = arith.constant 0 : i32
    %dma_start3A_376 = tpu.memref_slice %arg7[%dma_start3A_374, %dma_start3A_375] : memref<200x128xf32, #tpu.memory_space<vmem>> -> memref<1x128xf32, #tpu.memory_space<vmem>>
    %dma_start3A_377 = tpu.memref_squeeze %dma_start3A_376 : memref<1x128xf32, #tpu.memory_space<vmem>> -> memref<128xf32, #tpu.memory_space<vmem>>
    %dma_start3A_378 = arith.constant 0 : i32
    %dma_start3A_379 = tpu.memref_slice %arg6[%dma_start3A_373, %dma_start3A_378] : memref<200x128xi32, #tpu.memory_space<vmem>> -> memref<1x128xi32, #tpu.memory_space<vmem>>
    %dma_start3A_380 = tpu.memref_squeeze %dma_start3A_379 : memref<1x128xi32, #tpu.memory_space<vmem>> -> memref<128xi32, #tpu.memory_space<vmem>>
    %dma_start3A_381 = arith.constant 0 : i32
    %dma_start3A_382 = tpu.memref_slice %arg10[%dma_start3A_381] : memref<1000000xf32, #tpu.memory_space<vmem_shared>> -> memref<1000000xf32, #tpu.memory_space<vmem_shared>>
    tpu.enqueue_indirect_dma source(%dma_start3A_382 : memref<1000000xf32, #tpu.memory_space<vmem_shared>>) target(%dma_start3A_377 : memref<128xf32, #tpu.memory_space<vmem>>) offsets(%dma_start3A_380 : memref<128xi32, #tpu.memory_space<vmem>>) semaphore(%arg13 : memref<!tpu.dma_semaphore, #tpu.memory_space<semaphore_mem>>)
    %dma_start3A_383 = arith.constant 18 : i32
    %dma_start3A_384 = arith.constant 18 : i32
    %dma_start3A_385 = arith.constant 0 : i32
    %dma_start3A_386 = tpu.memref_slice %arg7[%dma_start3A_384, %dma_start3A_385] : memref<200x128xf32, #tpu.memory_space<vmem>> -> memref<1x128xf32, #tpu.memory_space<vmem>>
    %dma_start3A_387 = tpu.memref_squeeze %dma_start3A_386 : memref<1x128xf32, #tpu.memory_space<vmem>> -> memref<128xf32, #tpu.memory_space<vmem>>
    %dma_start3A_388 = arith.constant 0 : i32
    %dma_start3A_389 = tpu.memref_slice %arg6[%dma_start3A_383, %dma_start3A_388] : memref<200x128xi32, #tpu.memory_space<vmem>> -> memref<1x128xi32, #tpu.memory_space<vmem>>
    %dma_start3A_390 = tpu.memref_squeeze %dma_start3A_389 : memref<1x128xi32, #tpu.memory_space<vmem>> -> memref<128xi32, #tpu.memory_space<vmem>>
    %dma_start3A_391 = arith.constant 0 : i32
    %dma_start3A_392 = tpu.memref_slice %arg10[%dma_start3A_391] : memref<1000000xf32, #tpu.memory_space<vmem_shared>> -> memref<1000000xf32, #tpu.memory_space<vmem_shared>>
    tpu.enqueue_indirect_dma source(%dma_start3A_392 : memref<1000000xf32, #tpu.memory_space<vmem_shared>>) target(%dma_start3A_387 : memref<128xf32, #tpu.memory_space<vmem>>) offsets(%dma_start3A_390 : memref<128xi32, #tpu.memory_space<vmem>>) semaphore(%arg13 : memref<!tpu.dma_semaphore, #tpu.memory_space<semaphore_mem>>)
    %dma_start3A_393 = arith.constant 19 : i32
    %dma_start3A_394 = arith.constant 19 : i32
    %dma_start3A_395 = arith.constant 0 : i32
    %dma_start3A_396 = tpu.memref_slice %arg7[%dma_start3A_394, %dma_start3A_395] : memref<200x128xf32, #tpu.memory_space<vmem>> -> memref<1x128xf32, #tpu.memory_space<vmem>>
    %dma_start3A_397 = tpu.memref_squeeze %dma_start3A_396 : memref<1x128xf32, #tpu.memory_space<vmem>> -> memref<128xf32, #tpu.memory_space<vmem>>
    %dma_start3A_398 = arith.constant 0 : i32
    %dma_start3A_399 = tpu.memref_slice %arg6[%dma_start3A_393, %dma_start3A_398] : memref<200x128xi32, #tpu.memory_space<vmem>> -> memref<1x128xi32, #tpu.memory_space<vmem>>
    %dma_start3A_400 = tpu.memref_squeeze %dma_start3A_399 : memref<1x128xi32, #tpu.memory_space<vmem>> -> memref<128xi32, #tpu.memory_space<vmem>>
    %dma_start3A_401 = arith.constant 0 : i32
    %dma_start3A_402 = tpu.memref_slice %arg10[%dma_start3A_401] : memref<1000000xf32, #tpu.memory_space<vmem_shared>> -> memref<1000000xf32, #tpu.memory_space<vmem_shared>>
    tpu.enqueue_indirect_dma source(%dma_start3A_402 : memref<1000000xf32, #tpu.memory_space<vmem_shared>>) target(%dma_start3A_397 : memref<128xf32, #tpu.memory_space<vmem>>) offsets(%dma_start3A_400 : memref<128xi32, #tpu.memory_space<vmem>>) semaphore(%arg13 : memref<!tpu.dma_semaphore, #tpu.memory_space<semaphore_mem>>)
    %dma_start3A_403 = arith.constant 20 : i32
    %dma_start3A_404 = arith.constant 20 : i32
    %dma_start3A_405 = arith.constant 0 : i32
    %dma_start3A_406 = tpu.memref_slice %arg7[%dma_start3A_404, %dma_start3A_405] : memref<200x128xf32, #tpu.memory_space<vmem>> -> memref<1x128xf32, #tpu.memory_space<vmem>>
    %dma_start3A_407 = tpu.memref_squeeze %dma_start3A_406 : memref<1x128xf32, #tpu.memory_space<vmem>> -> memref<128xf32, #tpu.memory_space<vmem>>
    %dma_start3A_408 = arith.constant 0 : i32
    %dma_start3A_409 = tpu.memref_slice %arg6[%dma_start3A_403, %dma_start3A_408] : memref<200x128xi32, #tpu.memory_space<vmem>> -> memref<1x128xi32, #tpu.memory_space<vmem>>
    %dma_start3A_410 = tpu.memref_squeeze %dma_start3A_409 : memref<1x128xi32, #tpu.memory_space<vmem>> -> memref<128xi32, #tpu.memory_space<vmem>>
    %dma_start3A_411 = arith.constant 0 : i32
    %dma_start3A_412 = tpu.memref_slice %arg10[%dma_start3A_411] : memref<1000000xf32, #tpu.memory_space<vmem_shared>> -> memref<1000000xf32, #tpu.memory_space<vmem_shared>>
    tpu.enqueue_indirect_dma source(%dma_start3A_412 : memref<1000000xf32, #tpu.memory_space<vmem_shared>>) target(%dma_start3A_407 : memref<128xf32, #tpu.memory_space<vmem>>) offsets(%dma_start3A_410 : memref<128xi32, #tpu.memory_space<vmem>>) semaphore(%arg13 : memref<!tpu.dma_semaphore, #tpu.memory_space<semaphore_mem>>)
    %dma_start3A_413 = arith.constant 21 : i32
    %dma_start3A_414 = arith.constant 21 : i32
    %dma_start3A_415 = arith.constant 0 : i32
    %dma_start3A_416 = tpu.memref_slice %arg7[%dma_start3A_414, %dma_start3A_415] : memref<200x128xf32, #tpu.memory_space<vmem>> -> memref<1x128xf32, #tpu.memory_space<vmem>>
    %dma_start3A_417 = tpu.memref_squeeze %dma_start3A_416 : memref<1x128xf32, #tpu.memory_space<vmem>> -> memref<128xf32, #tpu.memory_space<vmem>>
    %dma_start3A_418 = arith.constant 0 : i32
    %dma_start3A_419 = tpu.memref_slice %arg6[%dma_start3A_413, %dma_start3A_418] : memref<200x128xi32, #tpu.memory_space<vmem>> -> memref<1x128xi32, #tpu.memory_space<vmem>>
    %dma_start3A_420 = tpu.memref_squeeze %dma_start3A_419 : memref<1x128xi32, #tpu.memory_space<vmem>> -> memref<128xi32, #tpu.memory_space<vmem>>
    %dma_start3A_421 = arith.constant 0 : i32
    %dma_start3A_422 = tpu.memref_slice %arg10[%dma_start3A_421] : memref<1000000xf32, #tpu.memory_space<vmem_shared>> -> memref<1000000xf32, #tpu.memory_space<vmem_shared>>
    tpu.enqueue_indirect_dma source(%dma_start3A_422 : memref<1000000xf32, #tpu.memory_space<vmem_shared>>) target(%dma_start3A_417 : memref<128xf32, #tpu.memory_space<vmem>>) offsets(%dma_start3A_420 : memref<128xi32, #tpu.memory_space<vmem>>) semaphore(%arg13 : memref<!tpu.dma_semaphore, #tpu.memory_space<semaphore_mem>>)
    %dma_start3A_423 = arith.constant 22 : i32
    %dma_start3A_424 = arith.constant 22 : i32
    %dma_start3A_425 = arith.constant 0 : i32
    %dma_start3A_426 = tpu.memref_slice %arg7[%dma_start3A_424, %dma_start3A_425] : memref<200x128xf32, #tpu.memory_space<vmem>> -> memref<1x128xf32, #tpu.memory_space<vmem>>
    %dma_start3A_427 = tpu.memref_squeeze %dma_start3A_426 : memref<1x128xf32, #tpu.memory_space<vmem>> -> memref<128xf32, #tpu.memory_space<vmem>>
    %dma_start3A_428 = arith.constant 0 : i32
    %dma_start3A_429 = tpu.memref_slice %arg6[%dma_start3A_423, %dma_start3A_428] : memref<200x128xi32, #tpu.memory_space<vmem>> -> memref<1x128xi32, #tpu.memory_space<vmem>>
    %dma_start3A_430 = tpu.memref_squeeze %dma_start3A_429 : memref<1x128xi32, #tpu.memory_space<vmem>> -> memref<128xi32, #tpu.memory_space<vmem>>
    %dma_start3A_431 = arith.constant 0 : i32
    %dma_start3A_432 = tpu.memref_slice %arg10[%dma_start3A_431] : memref<1000000xf32, #tpu.memory_space<vmem_shared>> -> memref<1000000xf32, #tpu.memory_space<vmem_shared>>
    tpu.enqueue_indirect_dma source(%dma_start3A_432 : memref<1000000xf32, #tpu.memory_space<vmem_shared>>) target(%dma_start3A_427 : memref<128xf32, #tpu.memory_space<vmem>>) offsets(%dma_start3A_430 : memref<128xi32, #tpu.memory_space<vmem>>) semaphore(%arg13 : memref<!tpu.dma_semaphore, #tpu.memory_space<semaphore_mem>>)
    %dma_start3A_433 = arith.constant 23 : i32
    %dma_start3A_434 = arith.constant 23 : i32
    %dma_start3A_435 = arith.constant 0 : i32
    %dma_start3A_436 = tpu.memref_slice %arg7[%dma_start3A_434, %dma_start3A_435] : memref<200x128xf32, #tpu.memory_space<vmem>> -> memref<1x128xf32, #tpu.memory_space<vmem>>
    %dma_start3A_437 = tpu.memref_squeeze %dma_start3A_436 : memref<1x128xf32, #tpu.memory_space<vmem>> -> memref<128xf32, #tpu.memory_space<vmem>>
    %dma_start3A_438 = arith.constant 0 : i32
    %dma_start3A_439 = tpu.memref_slice %arg6[%dma_start3A_433, %dma_start3A_438] : memref<200x128xi32, #tpu.memory_space<vmem>> -> memref<1x128xi32, #tpu.memory_space<vmem>>
    %dma_start3A_440 = tpu.memref_squeeze %dma_start3A_439 : memref<1x128xi32, #tpu.memory_space<vmem>> -> memref<128xi32, #tpu.memory_space<vmem>>
    %dma_start3A_441 = arith.constant 0 : i32
    %dma_start3A_442 = tpu.memref_slice %arg10[%dma_start3A_441] : memref<1000000xf32, #tpu.memory_space<vmem_shared>> -> memref<1000000xf32, #tpu.memory_space<vmem_shared>>
    tpu.enqueue_indirect_dma source(%dma_start3A_442 : memref<1000000xf32, #tpu.memory_space<vmem_shared>>) target(%dma_start3A_437 : memref<128xf32, #tpu.memory_space<vmem>>) offsets(%dma_start3A_440 : memref<128xi32, #tpu.memory_space<vmem>>) semaphore(%arg13 : memref<!tpu.dma_semaphore, #tpu.memory_space<semaphore_mem>>)
    %dma_start3A_443 = arith.constant 24 : i32
    %dma_start3A_444 = arith.constant 24 : i32
    %dma_start3A_445 = arith.constant 0 : i32
    %dma_start3A_446 = tpu.memref_slice %arg7[%dma_start3A_444, %dma_start3A_445] : memref<200x128xf32, #tpu.memory_space<vmem>> -> memref<1x128xf32, #tpu.memory_space<vmem>>
    %dma_start3A_447 = tpu.memref_squeeze %dma_start3A_446 : memref<1x128xf32, #tpu.memory_space<vmem>> -> memref<128xf32, #tpu.memory_space<vmem>>
    %dma_start3A_448 = arith.constant 0 : i32
    %dma_start3A_449 = tpu.memref_slice %arg6[%dma_start3A_443, %dma_start3A_448] : memref<200x128xi32, #tpu.memory_space<vmem>> -> memref<1x128xi32, #tpu.memory_space<vmem>>
    %dma_start3A_450 = tpu.memref_squeeze %dma_start3A_449 : memref<1x128xi32, #tpu.memory_space<vmem>> -> memref<128xi32, #tpu.memory_space<vmem>>
    %dma_start3A_451 = arith.constant 0 : i32
    %dma_start3A_452 = tpu.memref_slice %arg10[%dma_start3A_451] : memref<1000000xf32, #tpu.memory_space<vmem_shared>> -> memref<1000000xf32, #tpu.memory_space<vmem_shared>>
    tpu.enqueue_indirect_dma source(%dma_start3A_452 : memref<1000000xf32, #tpu.memory_space<vmem_shared>>) target(%dma_start3A_447 : memref<128xf32, #tpu.memory_space<vmem>>) offsets(%dma_start3A_450 : memref<128xi32, #tpu.memory_space<vmem>>) semaphore(%arg13 : memref<!tpu.dma_semaphore, #tpu.memory_space<semaphore_mem>>)
    %dma_start3A_453 = arith.constant 25 : i32
    %dma_start3A_454 = arith.constant 25 : i32
    %dma_start3A_455 = arith.constant 0 : i32
    %dma_start3A_456 = tpu.memref_slice %arg7[%dma_start3A_454, %dma_start3A_455] : memref<200x128xf32, #tpu.memory_space<vmem>> -> memref<1x128xf32, #tpu.memory_space<vmem>>
    %dma_start3A_457 = tpu.memref_squeeze %dma_start3A_456 : memref<1x128xf32, #tpu.memory_space<vmem>> -> memref<128xf32, #tpu.memory_space<vmem>>
    %dma_start3A_458 = arith.constant 0 : i32
    %dma_start3A_459 = tpu.memref_slice %arg6[%dma_start3A_453, %dma_start3A_458] : memref<200x128xi32, #tpu.memory_space<vmem>> -> memref<1x128xi32, #tpu.memory_space<vmem>>
    %dma_start3A_460 = tpu.memref_squeeze %dma_start3A_459 : memref<1x128xi32, #tpu.memory_space<vmem>> -> memref<128xi32, #tpu.memory_space<vmem>>
    %dma_start3A_461 = arith.constant 0 : i32
    %dma_start3A_462 = tpu.memref_slice %arg10[%dma_start3A_461] : memref<1000000xf32, #tpu.memory_space<vmem_shared>> -> memref<1000000xf32, #tpu.memory_space<vmem_shared>>
    tpu.enqueue_indirect_dma source(%dma_start3A_462 : memref<1000000xf32, #tpu.memory_space<vmem_shared>>) target(%dma_start3A_457 : memref<128xf32, #tpu.memory_space<vmem>>) offsets(%dma_start3A_460 : memref<128xi32, #tpu.memory_space<vmem>>) semaphore(%arg13 : memref<!tpu.dma_semaphore, #tpu.memory_space<semaphore_mem>>)
    %dma_start3A_463 = arith.constant 26 : i32
    %dma_start3A_464 = arith.constant 26 : i32
    %dma_start3A_465 = arith.constant 0 : i32
    %dma_start3A_466 = tpu.memref_slice %arg7[%dma_start3A_464, %dma_start3A_465] : memref<200x128xf32, #tpu.memory_space<vmem>> -> memref<1x128xf32, #tpu.memory_space<vmem>>
    %dma_start3A_467 = tpu.memref_squeeze %dma_start3A_466 : memref<1x128xf32, #tpu.memory_space<vmem>> -> memref<128xf32, #tpu.memory_space<vmem>>
    %dma_start3A_468 = arith.constant 0 : i32
    %dma_start3A_469 = tpu.memref_slice %arg6[%dma_start3A_463, %dma_start3A_468] : memref<200x128xi32, #tpu.memory_space<vmem>> -> memref<1x128xi32, #tpu.memory_space<vmem>>
    %dma_start3A_470 = tpu.memref_squeeze %dma_start3A_469 : memref<1x128xi32, #tpu.memory_space<vmem>> -> memref<128xi32, #tpu.memory_space<vmem>>
    %dma_start3A_471 = arith.constant 0 : i32
    %dma_start3A_472 = tpu.memref_slice %arg10[%dma_start3A_471] : memref<1000000xf32, #tpu.memory_space<vmem_shared>> -> memref<1000000xf32, #tpu.memory_space<vmem_shared>>
    tpu.enqueue_indirect_dma source(%dma_start3A_472 : memref<1000000xf32, #tpu.memory_space<vmem_shared>>) target(%dma_start3A_467 : memref<128xf32, #tpu.memory_space<vmem>>) offsets(%dma_start3A_470 : memref<128xi32, #tpu.memory_space<vmem>>) semaphore(%arg13 : memref<!tpu.dma_semaphore, #tpu.memory_space<semaphore_mem>>)
    %dma_start3A_473 = arith.constant 27 : i32
    %dma_start3A_474 = arith.constant 27 : i32
    %dma_start3A_475 = arith.constant 0 : i32
    %dma_start3A_476 = tpu.memref_slice %arg7[%dma_start3A_474, %dma_start3A_475] : memref<200x128xf32, #tpu.memory_space<vmem>> -> memref<1x128xf32, #tpu.memory_space<vmem>>
    %dma_start3A_477 = tpu.memref_squeeze %dma_start3A_476 : memref<1x128xf32, #tpu.memory_space<vmem>> -> memref<128xf32, #tpu.memory_space<vmem>>
    %dma_start3A_478 = arith.constant 0 : i32
    %dma_start3A_479 = tpu.memref_slice %arg6[%dma_start3A_473, %dma_start3A_478] : memref<200x128xi32, #tpu.memory_space<vmem>> -> memref<1x128xi32, #tpu.memory_space<vmem>>
    %dma_start3A_480 = tpu.memref_squeeze %dma_start3A_479 : memref<1x128xi32, #tpu.memory_space<vmem>> -> memref<128xi32, #tpu.memory_space<vmem>>
    %dma_start3A_481 = arith.constant 0 : i32
    %dma_start3A_482 = tpu.memref_slice %arg10[%dma_start3A_481] : memref<1000000xf32, #tpu.memory_space<vmem_shared>> -> memref<1000000xf32, #tpu.memory_space<vmem_shared>>
    tpu.enqueue_indirect_dma source(%dma_start3A_482 : memref<1000000xf32, #tpu.memory_space<vmem_shared>>) target(%dma_start3A_477 : memref<128xf32, #tpu.memory_space<vmem>>) offsets(%dma_start3A_480 : memref<128xi32, #tpu.memory_space<vmem>>) semaphore(%arg13 : memref<!tpu.dma_semaphore, #tpu.memory_space<semaphore_mem>>)
    %dma_start3A_483 = arith.constant 28 : i32
    %dma_start3A_484 = arith.constant 28 : i32
    %dma_start3A_485 = arith.constant 0 : i32
    %dma_start3A_486 = tpu.memref_slice %arg7[%dma_start3A_484, %dma_start3A_485] : memref<200x128xf32, #tpu.memory_space<vmem>> -> memref<1x128xf32, #tpu.memory_space<vmem>>
    %dma_start3A_487 = tpu.memref_squeeze %dma_start3A_486 : memref<1x128xf32, #tpu.memory_space<vmem>> -> memref<128xf32, #tpu.memory_space<vmem>>
    %dma_start3A_488 = arith.constant 0 : i32
    %dma_start3A_489 = tpu.memref_slice %arg6[%dma_start3A_483, %dma_start3A_488] : memref<200x128xi32, #tpu.memory_space<vmem>> -> memref<1x128xi32, #tpu.memory_space<vmem>>
    %dma_start3A_490 = tpu.memref_squeeze %dma_start3A_489 : memref<1x128xi32, #tpu.memory_space<vmem>> -> memref<128xi32, #tpu.memory_space<vmem>>
    %dma_start3A_491 = arith.constant 0 : i32
    %dma_start3A_492 = tpu.memref_slice %arg10[%dma_start3A_491] : memref<1000000xf32, #tpu.memory_space<vmem_shared>> -> memref<1000000xf32, #tpu.memory_space<vmem_shared>>
    tpu.enqueue_indirect_dma source(%dma_start3A_492 : memref<1000000xf32, #tpu.memory_space<vmem_shared>>) target(%dma_start3A_487 : memref<128xf32, #tpu.memory_space<vmem>>) offsets(%dma_start3A_490 : memref<128xi32, #tpu.memory_space<vmem>>) semaphore(%arg13 : memref<!tpu.dma_semaphore, #tpu.memory_space<semaphore_mem>>)
    %dma_start3A_493 = arith.constant 29 : i32
    %dma_start3A_494 = arith.constant 29 : i32
    %dma_start3A_495 = arith.constant 0 : i32
    %dma_start3A_496 = tpu.memref_slice %arg7[%dma_start3A_494, %dma_start3A_495] : memref<200x128xf32, #tpu.memory_space<vmem>> -> memref<1x128xf32, #tpu.memory_space<vmem>>
    %dma_start3A_497 = tpu.memref_squeeze %dma_start3A_496 : memref<1x128xf32, #tpu.memory_space<vmem>> -> memref<128xf32, #tpu.memory_space<vmem>>
    %dma_start3A_498 = arith.constant 0 : i32
    %dma_start3A_499 = tpu.memref_slice %arg6[%dma_start3A_493, %dma_start3A_498] : memref<200x128xi32, #tpu.memory_space<vmem>> -> memref<1x128xi32, #tpu.memory_space<vmem>>
    %dma_start3A_500 = tpu.memref_squeeze %dma_start3A_499 : memref<1x128xi32, #tpu.memory_space<vmem>> -> memref<128xi32, #tpu.memory_space<vmem>>
    %dma_start3A_501 = arith.constant 0 : i32
    %dma_start3A_502 = tpu.memref_slice %arg10[%dma_start3A_501] : memref<1000000xf32, #tpu.memory_space<vmem_shared>> -> memref<1000000xf32, #tpu.memory_space<vmem_shared>>
    tpu.enqueue_indirect_dma source(%dma_start3A_502 : memref<1000000xf32, #tpu.memory_space<vmem_shared>>) target(%dma_start3A_497 : memref<128xf32, #tpu.memory_space<vmem>>) offsets(%dma_start3A_500 : memref<128xi32, #tpu.memory_space<vmem>>) semaphore(%arg13 : memref<!tpu.dma_semaphore, #tpu.memory_space<semaphore_mem>>)
    %dma_start3A_503 = arith.constant 30 : i32
    %dma_start3A_504 = arith.constant 30 : i32
    %dma_start3A_505 = arith.constant 0 : i32
    %dma_start3A_506 = tpu.memref_slice %arg7[%dma_start3A_504, %dma_start3A_505] : memref<200x128xf32, #tpu.memory_space<vmem>> -> memref<1x128xf32, #tpu.memory_space<vmem>>
    %dma_start3A_507 = tpu.memref_squeeze %dma_start3A_506 : memref<1x128xf32, #tpu.memory_space<vmem>> -> memref<128xf32, #tpu.memory_space<vmem>>
    %dma_start3A_508 = arith.constant 0 : i32
    %dma_start3A_509 = tpu.memref_slice %arg6[%dma_start3A_503, %dma_start3A_508] : memref<200x128xi32, #tpu.memory_space<vmem>> -> memref<1x128xi32, #tpu.memory_space<vmem>>
    %dma_start3A_510 = tpu.memref_squeeze %dma_start3A_509 : memref<1x128xi32, #tpu.memory_space<vmem>> -> memref<128xi32, #tpu.memory_space<vmem>>
    %dma_start3A_511 = arith.constant 0 : i32
    %dma_start3A_512 = tpu.memref_slice %arg10[%dma_start3A_511] : memref<1000000xf32, #tpu.memory_space<vmem_shared>> -> memref<1000000xf32, #tpu.memory_space<vmem_shared>>
    tpu.enqueue_indirect_dma source(%dma_start3A_512 : memref<1000000xf32, #tpu.memory_space<vmem_shared>>) target(%dma_start3A_507 : memref<128xf32, #tpu.memory_space<vmem>>) offsets(%dma_start3A_510 : memref<128xi32, #tpu.memory_space<vmem>>) semaphore(%arg13 : memref<!tpu.dma_semaphore, #tpu.memory_space<semaphore_mem>>)
    %dma_start3A_513 = arith.constant 31 : i32
    %dma_start3A_514 = arith.constant 31 : i32
    %dma_start3A_515 = arith.constant 0 : i32
    %dma_start3A_516 = tpu.memref_slice %arg7[%dma_start3A_514, %dma_start3A_515] : memref<200x128xf32, #tpu.memory_space<vmem>> -> memref<1x128xf32, #tpu.memory_space<vmem>>
    %dma_start3A_517 = tpu.memref_squeeze %dma_start3A_516 : memref<1x128xf32, #tpu.memory_space<vmem>> -> memref<128xf32, #tpu.memory_space<vmem>>
    %dma_start3A_518 = arith.constant 0 : i32
    %dma_start3A_519 = tpu.memref_slice %arg6[%dma_start3A_513, %dma_start3A_518] : memref<200x128xi32, #tpu.memory_space<vmem>> -> memref<1x128xi32, #tpu.memory_space<vmem>>
    %dma_start3A_520 = tpu.memref_squeeze %dma_start3A_519 : memref<1x128xi32, #tpu.memory_space<vmem>> -> memref<128xi32, #tpu.memory_space<vmem>>
    %dma_start3A_521 = arith.constant 0 : i32
    %dma_start3A_522 = tpu.memref_slice %arg10[%dma_start3A_521] : memref<1000000xf32, #tpu.memory_space<vmem_shared>> -> memref<1000000xf32, #tpu.memory_space<vmem_shared>>
    tpu.enqueue_indirect_dma source(%dma_start3A_522 : memref<1000000xf32, #tpu.memory_space<vmem_shared>>) target(%dma_start3A_517 : memref<128xf32, #tpu.memory_space<vmem>>) offsets(%dma_start3A_520 : memref<128xi32, #tpu.memory_space<vmem>>) semaphore(%arg13 : memref<!tpu.dma_semaphore, #tpu.memory_space<semaphore_mem>>)
    %broadcast_in_dim3A = arith.constant 0.000000e+00 : f32
    %broadcast_in_dim3A_523 = vector.broadcast %broadcast_in_dim3A : f32 to vector<16xf32>
    %scan3A = arith.constant 0 : i32
    %scan3A_524 = arith.constant 50 : i32
    %scan3A_525 = arith.addi %scan3A, %scan3A_524 : i32
    %scan3A_526 = arith.constant 1 : i32
    %scan3A_527:8 = scf.for %scan3A_647 = %scan3A to %scan3A_525 step %scan3A_526 iter_args(%scan3A_648 = %broadcast_in_dim3A_523, %scan3A_649 = %broadcast_in_dim3A_523, %scan3A_650 = %broadcast_in_dim3A_523, %scan3A_651 = %broadcast_in_dim3A_523, %scan3A_652 = %broadcast_in_dim3A_523, %scan3A_653 = %broadcast_in_dim3A_523, %scan3A_654 = %broadcast_in_dim3A_523, %scan3A_655 = %broadcast_in_dim3A_523) -> (vector<16xf32>, vector<16xf32>, vector<16xf32>, vector<16xf32>, vector<16xf32>, vector<16xf32>, vector<16xf32>, vector<16xf32>)  : i32 {
      %mul3A_656 = arith.constant 4 : i32
      %mul3A_657 = arith.muli %scan3A_647, %mul3A_656 : i32
      %add3A_658 = arith.constant 0 : i32
      %add3A_659 = arith.addi %mul3A_657, %add3A_658 : i32
      %dma_wait3A_660 = arith.constant 0 : i32
      %dma_wait3A_661 = tpu.memref_slice %arg7[%add3A_659, %dma_wait3A_660] : memref<200x128xf32, #tpu.memory_space<vmem>> -> memref<1x128xf32, #tpu.memory_space<vmem>>
      %dma_wait3A_662 = tpu.memref_squeeze %dma_wait3A_661 : memref<1x128xf32, #tpu.memory_space<vmem>> -> memref<128xf32, #tpu.memory_space<vmem>>
      %dma_wait3A_663 = arith.constant 0 : i32
      %dma_wait3A_664 = tpu.memref_slice %arg6[%add3A_659, %dma_wait3A_663] : memref<200x128xi32, #tpu.memory_space<vmem>> -> memref<1x128xi32, #tpu.memory_space<vmem>>
      %dma_wait3A_665 = tpu.memref_squeeze %dma_wait3A_664 : memref<1x128xi32, #tpu.memory_space<vmem>> -> memref<128xi32, #tpu.memory_space<vmem>>
      %dma_wait3A_666 = arith.constant 0 : i32
      %dma_wait3A_667 = tpu.memref_slice %arg10[%dma_wait3A_666] : memref<1000000xf32, #tpu.memory_space<vmem_shared>> -> memref<1000000xf32, #tpu.memory_space<vmem_shared>>
      tpu.wait_indirect_dma semaphore(%arg13 : memref<!tpu.dma_semaphore, #tpu.memory_space<semaphore_mem>>) src(%dma_wait3A_667 : memref<1000000xf32, #tpu.memory_space<vmem_shared>>) dst(%dma_wait3A_662 : memref<128xf32, #tpu.memory_space<vmem>>)
      %lt3A = arith.constant 168 : i32
      %lt3A_668 = arith.cmpi slt, %add3A_659, %lt3A : i32
      %convert_element_type3A_669 = arith.extui %lt3A_668 : i1 to i32
      %cond3A_670 = arith.constant 0 : i32
      %cond3A_671 = arith.cmpi ne, %convert_element_type3A_669, %cond3A_670 : i32
      scf.if %cond3A_671 {
        %add3A_883 = arith.constant 32 : i32
        %add3A_884 = arith.addi %add3A_659, %add3A_883 : i32
        %dma_start3A_885 = arith.constant 0 : i32
        %dma_start3A_886 = tpu.memref_slice %arg7[%add3A_884, %dma_start3A_885] : memref<200x128xf32, #tpu.memory_space<vmem>> -> memref<1x128xf32, #tpu.memory_space<vmem>>
        %dma_start3A_887 = tpu.memref_squeeze %dma_start3A_886 : memref<1x128xf32, #tpu.memory_space<vmem>> -> memref<128xf32, #tpu.memory_space<vmem>>
        %dma_start3A_888 = arith.constant 0 : i32
        %dma_start3A_889 = tpu.memref_slice %arg6[%add3A_884, %dma_start3A_888] : memref<200x128xi32, #tpu.memory_space<vmem>> -> memref<1x128xi32, #tpu.memory_space<vmem>>
        %dma_start3A_890 = tpu.memref_squeeze %dma_start3A_889 : memref<1x128xi32, #tpu.memory_space<vmem>> -> memref<128xi32, #tpu.memory_space<vmem>>
        %dma_start3A_891 = arith.constant 0 : i32
        %dma_start3A_892 = tpu.memref_slice %arg10[%dma_start3A_891] : memref<1000000xf32, #tpu.memory_space<vmem_shared>> -> memref<1000000xf32, #tpu.memory_space<vmem_shared>>
        tpu.enqueue_indirect_dma source(%dma_start3A_892 : memref<1000000xf32, #tpu.memory_space<vmem_shared>>) target(%dma_start3A_887 : memref<128xf32, #tpu.memory_space<vmem>>) offsets(%dma_start3A_890 : memref<128xi32, #tpu.memory_space<vmem>>) semaphore(%arg13 : memref<!tpu.dma_semaphore, #tpu.memory_space<semaphore_mem>>)
      } else {
      }
      %get3A_672 = arith.index_cast %add3A_659 : i32 to index
      %get3A_673 = arith.constant 0 : index
      %get3A_674 = tpu.vector_load %arg7[%get3A_672, %get3A_673] {strides = array<i32>} : memref<200x128xf32, #tpu.memory_space<vmem>>, vector<1x16xf32>,
      %get3A_675 = vector.shape_cast %get3A_674 : vector<1x16xf32> to vector<16xf32>
      %add3A_676 = arith.addf %scan3A_648, %get3A_675 : vector<16xf32>
      %get3A_677 = arith.index_cast %add3A_659 : i32 to index
      %get3A_678 = arith.constant 16 : index
      %get3A_679 = tpu.vector_load %arg7[%get3A_677, %get3A_678] {strides = array<i32>} : memref<200x128xf32, #tpu.memory_space<vmem>>, vector<1x16xf32>,
      %get3A_680 = vector.shape_cast %get3A_679 : vector<1x16xf32> to vector<16xf32>
      %add3A_681 = arith.addf %scan3A_649, %get3A_680 : vector<16xf32>
      %get3A_682 = arith.index_cast %add3A_659 : i32 to index
      %get3A_683 = arith.constant 32 : index
      %get3A_684 = tpu.vector_load %arg7[%get3A_682, %get3A_683] {strides = array<i32>} : memref<200x128xf32, #tpu.memory_space<vmem>>, vector<1x16xf32>,
      %get3A_685 = vector.shape_cast %get3A_684 : vector<1x16xf32> to vector<16xf32>
      %add3A_686 = arith.addf %scan3A_650, %get3A_685 : vector<16xf32>
      %get3A_687 = arith.index_cast %add3A_659 : i32 to index
      %get3A_688 = arith.constant 48 : index
      %get3A_689 = tpu.vector_load %arg7[%get3A_687, %get3A_688] {strides = array<i32>} : memref<200x128xf32, #tpu.memory_space<vmem>>, vector<1x16xf32>,
      %get3A_690 = vector.shape_cast %get3A_689 : vector<1x16xf32> to vector<16xf32>
      %add3A_691 = arith.addf %scan3A_651, %get3A_690 : vector<16xf32>
      %get3A_692 = arith.index_cast %add3A_659 : i32 to index
      %get3A_693 = arith.constant 64 : index
      %get3A_694 = tpu.vector_load %arg7[%get3A_692, %get3A_693] {strides = array<i32>} : memref<200x128xf32, #tpu.memory_space<vmem>>, vector<1x16xf32>,
      %get3A_695 = vector.shape_cast %get3A_694 : vector<1x16xf32> to vector<16xf32>
      %add3A_696 = arith.addf %scan3A_652, %get3A_695 : vector<16xf32>
      %get3A_697 = arith.index_cast %add3A_659 : i32 to index
      %get3A_698 = arith.constant 80 : index
      %get3A_699 = tpu.vector_load %arg7[%get3A_697, %get3A_698] {strides = array<i32>} : memref<200x128xf32, #tpu.memory_space<vmem>>, vector<1x16xf32>,
      %get3A_700 = vector.shape_cast %get3A_699 : vector<1x16xf32> to vector<16xf32>
      %add3A_701 = arith.addf %scan3A_653, %get3A_700 : vector<16xf32>
      %get3A_702 = arith.index_cast %add3A_659 : i32 to index
      %get3A_703 = arith.constant 96 : index
      %get3A_704 = tpu.vector_load %arg7[%get3A_702, %get3A_703] {strides = array<i32>} : memref<200x128xf32, #tpu.memory_space<vmem>>, vector<1x16xf32>,
      %get3A_705 = vector.shape_cast %get3A_704 : vector<1x16xf32> to vector<16xf32>
      %add3A_706 = arith.addf %scan3A_654, %get3A_705 : vector<16xf32>
      %get3A_707 = arith.index_cast %add3A_659 : i32 to index
      %get3A_708 = arith.constant 112 : index
      %get3A_709 = tpu.vector_load %arg7[%get3A_707, %get3A_708] {strides = array<i32>} : memref<200x128xf32, #tpu.memory_space<vmem>>, vector<1x16xf32>,
      %get3A_710 = vector.shape_cast %get3A_709 : vector<1x16xf32> to vector<16xf32>
      %add3A_711 = arith.addf %scan3A_655, %get3A_710 : vector<16xf32>
      %mul3A_712 = arith.constant 4 : i32
      %mul3A_713 = arith.muli %scan3A_647, %mul3A_712 : i32
      %add3A_714 = arith.constant 1 : i32
      %add3A_715 = arith.addi %mul3A_713, %add3A_714 : i32
      %dma_wait3A_716 = arith.constant 0 : i32
      %dma_wait3A_717 = tpu.memref_slice %arg7[%add3A_715, %dma_wait3A_716] : memref<200x128xf32, #tpu.memory_space<vmem>> -> memref<1x128xf32, #tpu.memory_space<vmem>>
      %dma_wait3A_718 = tpu.memref_squeeze %dma_wait3A_717 : memref<1x128xf32, #tpu.memory_space<vmem>> -> memref<128xf32, #tpu.memory_space<vmem>>
      %dma_wait3A_719 = arith.constant 0 : i32
      %dma_wait3A_720 = tpu.memref_slice %arg6[%add3A_715, %dma_wait3A_719] : memref<200x128xi32, #tpu.memory_space<vmem>> -> memref<1x128xi32, #tpu.memory_space<vmem>>
      %dma_wait3A_721 = tpu.memref_squeeze %dma_wait3A_720 : memref<1x128xi32, #tpu.memory_space<vmem>> -> memref<128xi32, #tpu.memory_space<vmem>>
      %dma_wait3A_722 = arith.constant 0 : i32
      %dma_wait3A_723 = tpu.memref_slice %arg10[%dma_wait3A_722] : memref<1000000xf32, #tpu.memory_space<vmem_shared>> -> memref<1000000xf32, #tpu.memory_space<vmem_shared>>
      tpu.wait_indirect_dma semaphore(%arg13 : memref<!tpu.dma_semaphore, #tpu.memory_space<semaphore_mem>>) src(%dma_wait3A_723 : memref<1000000xf32, #tpu.memory_space<vmem_shared>>) dst(%dma_wait3A_718 : memref<128xf32, #tpu.memory_space<vmem>>)
      %lt3A_724 = arith.constant 168 : i32
      %lt3A_725 = arith.cmpi slt, %add3A_715, %lt3A_724 : i32
      %convert_element_type3A_726 = arith.extui %lt3A_725 : i1 to i32
      %cond3A_727 = arith.constant 0 : i32
      %cond3A_728 = arith.cmpi ne, %convert_element_type3A_726, %cond3A_727 : i32
      scf.if %cond3A_728 {
        %add3A_883 = arith.constant 32 : i32
        %add3A_884 = arith.addi %add3A_715, %add3A_883 : i32
        %dma_start3A_885 = arith.constant 0 : i32
        %dma_start3A_886 = tpu.memref_slice %arg7[%add3A_884, %dma_start3A_885] : memref<200x128xf32, #tpu.memory_space<vmem>> -> memref<1x128xf32, #tpu.memory_space<vmem>>
        %dma_start3A_887 = tpu.memref_squeeze %dma_start3A_886 : memref<1x128xf32, #tpu.memory_space<vmem>> -> memref<128xf32, #tpu.memory_space<vmem>>
        %dma_start3A_888 = arith.constant 0 : i32
        %dma_start3A_889 = tpu.memref_slice %arg6[%add3A_884, %dma_start3A_888] : memref<200x128xi32, #tpu.memory_space<vmem>> -> memref<1x128xi32, #tpu.memory_space<vmem>>
        %dma_start3A_890 = tpu.memref_squeeze %dma_start3A_889 : memref<1x128xi32, #tpu.memory_space<vmem>> -> memref<128xi32, #tpu.memory_space<vmem>>
        %dma_start3A_891 = arith.constant 0 : i32
        %dma_start3A_892 = tpu.memref_slice %arg10[%dma_start3A_891] : memref<1000000xf32, #tpu.memory_space<vmem_shared>> -> memref<1000000xf32, #tpu.memory_space<vmem_shared>>
        tpu.enqueue_indirect_dma source(%dma_start3A_892 : memref<1000000xf32, #tpu.memory_space<vmem_shared>>) target(%dma_start3A_887 : memref<128xf32, #tpu.memory_space<vmem>>) offsets(%dma_start3A_890 : memref<128xi32, #tpu.memory_space<vmem>>) semaphore(%arg13 : memref<!tpu.dma_semaphore, #tpu.memory_space<semaphore_mem>>)
      } else {
      }
      %get3A_729 = arith.index_cast %add3A_715 : i32 to index
      %get3A_730 = arith.constant 0 : index
      %get3A_731 = tpu.vector_load %arg7[%get3A_729, %get3A_730] {strides = array<i32>} : memref<200x128xf32, #tpu.memory_space<vmem>>, vector<1x16xf32>,
      %get3A_732 = vector.shape_cast %get3A_731 : vector<1x16xf32> to vector<16xf32>
      %add3A_733 = arith.addf %add3A_676, %get3A_732 : vector<16xf32>
      %get3A_734 = arith.index_cast %add3A_715 : i32 to index
      %get3A_735 = arith.constant 16 : index
      %get3A_736 = tpu.vector_load %arg7[%get3A_734, %get3A_735] {strides = array<i32>} : memref<200x128xf32, #tpu.memory_space<vmem>>, vector<1x16xf32>,
      %get3A_737 = vector.shape_cast %get3A_736 : vector<1x16xf32> to vector<16xf32>
      %add3A_738 = arith.addf %add3A_681, %get3A_737 : vector<16xf32>
      %get3A_739 = arith.index_cast %add3A_715 : i32 to index
      %get3A_740 = arith.constant 32 : index
      %get3A_741 = tpu.vector_load %arg7[%get3A_739, %get3A_740] {strides = array<i32>} : memref<200x128xf32, #tpu.memory_space<vmem>>, vector<1x16xf32>,
      %get3A_742 = vector.shape_cast %get3A_741 : vector<1x16xf32> to vector<16xf32>
      %add3A_743 = arith.addf %add3A_686, %get3A_742 : vector<16xf32>
      %get3A_744 = arith.index_cast %add3A_715 : i32 to index
      %get3A_745 = arith.constant 48 : index
      %get3A_746 = tpu.vector_load %arg7[%get3A_744, %get3A_745] {strides = array<i32>} : memref<200x128xf32, #tpu.memory_space<vmem>>, vector<1x16xf32>,
      %get3A_747 = vector.shape_cast %get3A_746 : vector<1x16xf32> to vector<16xf32>
      %add3A_748 = arith.addf %add3A_691, %get3A_747 : vector<16xf32>
      %get3A_749 = arith.index_cast %add3A_715 : i32 to index
      %get3A_750 = arith.constant 64 : index
      %get3A_751 = tpu.vector_load %arg7[%get3A_749, %get3A_750] {strides = array<i32>} : memref<200x128xf32, #tpu.memory_space<vmem>>, vector<1x16xf32>,
      %get3A_752 = vector.shape_cast %get3A_751 : vector<1x16xf32> to vector<16xf32>
      %add3A_753 = arith.addf %add3A_696, %get3A_752 : vector<16xf32>
      %get3A_754 = arith.index_cast %add3A_715 : i32 to index
      %get3A_755 = arith.constant 80 : index
      %get3A_756 = tpu.vector_load %arg7[%get3A_754, %get3A_755] {strides = array<i32>} : memref<200x128xf32, #tpu.memory_space<vmem>>, vector<1x16xf32>,
      %get3A_757 = vector.shape_cast %get3A_756 : vector<1x16xf32> to vector<16xf32>
      %add3A_758 = arith.addf %add3A_701, %get3A_757 : vector<16xf32>
      %get3A_759 = arith.index_cast %add3A_715 : i32 to index
      %get3A_760 = arith.constant 96 : index
      %get3A_761 = tpu.vector_load %arg7[%get3A_759, %get3A_760] {strides = array<i32>} : memref<200x128xf32, #tpu.memory_space<vmem>>, vector<1x16xf32>,
      %get3A_762 = vector.shape_cast %get3A_761 : vector<1x16xf32> to vector<16xf32>
      %add3A_763 = arith.addf %add3A_706, %get3A_762 : vector<16xf32>
      %get3A_764 = arith.index_cast %add3A_715 : i32 to index
      %get3A_765 = arith.constant 112 : index
      %get3A_766 = tpu.vector_load %arg7[%get3A_764, %get3A_765] {strides = array<i32>} : memref<200x128xf32, #tpu.memory_space<vmem>>, vector<1x16xf32>,
      %get3A_767 = vector.shape_cast %get3A_766 : vector<1x16xf32> to vector<16xf32>
      %add3A_768 = arith.addf %add3A_711, %get3A_767 : vector<16xf32>
      %mul3A_769 = arith.constant 4 : i32
      %mul3A_770 = arith.muli %scan3A_647, %mul3A_769 : i32
      %add3A_771 = arith.constant 2 : i32
      %add3A_772 = arith.addi %mul3A_770, %add3A_771 : i32
      %dma_wait3A_773 = arith.constant 0 : i32
      %dma_wait3A_774 = tpu.memref_slice %arg7[%add3A_772, %dma_wait3A_773] : memref<200x128xf32, #tpu.memory_space<vmem>> -> memref<1x128xf32, #tpu.memory_space<vmem>>
      %dma_wait3A_775 = tpu.memref_squeeze %dma_wait3A_774 : memref<1x128xf32, #tpu.memory_space<vmem>> -> memref<128xf32, #tpu.memory_space<vmem>>
      %dma_wait3A_776 = arith.constant 0 : i32
      %dma_wait3A_777 = tpu.memref_slice %arg6[%add3A_772, %dma_wait3A_776] : memref<200x128xi32, #tpu.memory_space<vmem>> -> memref<1x128xi32, #tpu.memory_space<vmem>>
      %dma_wait3A_778 = tpu.memref_squeeze %dma_wait3A_777 : memref<1x128xi32, #tpu.memory_space<vmem>> -> memref<128xi32, #tpu.memory_space<vmem>>
      %dma_wait3A_779 = arith.constant 0 : i32
      %dma_wait3A_780 = tpu.memref_slice %arg10[%dma_wait3A_779] : memref<1000000xf32, #tpu.memory_space<vmem_shared>> -> memref<1000000xf32, #tpu.memory_space<vmem_shared>>
      tpu.wait_indirect_dma semaphore(%arg13 : memref<!tpu.dma_semaphore, #tpu.memory_space<semaphore_mem>>) src(%dma_wait3A_780 : memref<1000000xf32, #tpu.memory_space<vmem_shared>>) dst(%dma_wait3A_775 : memref<128xf32, #tpu.memory_space<vmem>>)
      %lt3A_781 = arith.constant 168 : i32
      %lt3A_782 = arith.cmpi slt, %add3A_772, %lt3A_781 : i32
      %convert_element_type3A_783 = arith.extui %lt3A_782 : i1 to i32
      %cond3A_784 = arith.constant 0 : i32
      %cond3A_785 = arith.cmpi ne, %convert_element_type3A_783, %cond3A_784 : i32
      scf.if %cond3A_785 {
        %add3A_883 = arith.constant 32 : i32
        %add3A_884 = arith.addi %add3A_772, %add3A_883 : i32
        %dma_start3A_885 = arith.constant 0 : i32
        %dma_start3A_886 = tpu.memref_slice %arg7[%add3A_884, %dma_start3A_885] : memref<200x128xf32, #tpu.memory_space<vmem>> -> memref<1x128xf32, #tpu.memory_space<vmem>>
        %dma_start3A_887 = tpu.memref_squeeze %dma_start3A_886 : memref<1x128xf32, #tpu.memory_space<vmem>> -> memref<128xf32, #tpu.memory_space<vmem>>
        %dma_start3A_888 = arith.constant 0 : i32
        %dma_start3A_889 = tpu.memref_slice %arg6[%add3A_884, %dma_start3A_888] : memref<200x128xi32, #tpu.memory_space<vmem>> -> memref<1x128xi32, #tpu.memory_space<vmem>>
        %dma_start3A_890 = tpu.memref_squeeze %dma_start3A_889 : memref<1x128xi32, #tpu.memory_space<vmem>> -> memref<128xi32, #tpu.memory_space<vmem>>
        %dma_start3A_891 = arith.constant 0 : i32
        %dma_start3A_892 = tpu.memref_slice %arg10[%dma_start3A_891] : memref<1000000xf32, #tpu.memory_space<vmem_shared>> -> memref<1000000xf32, #tpu.memory_space<vmem_shared>>
        tpu.enqueue_indirect_dma source(%dma_start3A_892 : memref<1000000xf32, #tpu.memory_space<vmem_shared>>) target(%dma_start3A_887 : memref<128xf32, #tpu.memory_space<vmem>>) offsets(%dma_start3A_890 : memref<128xi32, #tpu.memory_space<vmem>>) semaphore(%arg13 : memref<!tpu.dma_semaphore, #tpu.memory_space<semaphore_mem>>)
      } else {
      }
      %get3A_786 = arith.index_cast %add3A_772 : i32 to index
      %get3A_787 = arith.constant 0 : index
      %get3A_788 = tpu.vector_load %arg7[%get3A_786, %get3A_787] {strides = array<i32>} : memref<200x128xf32, #tpu.memory_space<vmem>>, vector<1x16xf32>,
      %get3A_789 = vector.shape_cast %get3A_788 : vector<1x16xf32> to vector<16xf32>
      %add3A_790 = arith.addf %add3A_733, %get3A_789 : vector<16xf32>
      %get3A_791 = arith.index_cast %add3A_772 : i32 to index
      %get3A_792 = arith.constant 16 : index
      %get3A_793 = tpu.vector_load %arg7[%get3A_791, %get3A_792] {strides = array<i32>} : memref<200x128xf32, #tpu.memory_space<vmem>>, vector<1x16xf32>,
      %get3A_794 = vector.shape_cast %get3A_793 : vector<1x16xf32> to vector<16xf32>
      %add3A_795 = arith.addf %add3A_738, %get3A_794 : vector<16xf32>
      %get3A_796 = arith.index_cast %add3A_772 : i32 to index
      %get3A_797 = arith.constant 32 : index
      %get3A_798 = tpu.vector_load %arg7[%get3A_796, %get3A_797] {strides = array<i32>} : memref<200x128xf32, #tpu.memory_space<vmem>>, vector<1x16xf32>,
      %get3A_799 = vector.shape_cast %get3A_798 : vector<1x16xf32> to vector<16xf32>
      %add3A_800 = arith.addf %add3A_743, %get3A_799 : vector<16xf32>
      %get3A_801 = arith.index_cast %add3A_772 : i32 to index
      %get3A_802 = arith.constant 48 : index
      %get3A_803 = tpu.vector_load %arg7[%get3A_801, %get3A_802] {strides = array<i32>} : memref<200x128xf32, #tpu.memory_space<vmem>>, vector<1x16xf32>,
      %get3A_804 = vector.shape_cast %get3A_803 : vector<1x16xf32> to vector<16xf32>
      %add3A_805 = arith.addf %add3A_748, %get3A_804 : vector<16xf32>
      %get3A_806 = arith.index_cast %add3A_772 : i32 to index
      %get3A_807 = arith.constant 64 : index
      %get3A_808 = tpu.vector_load %arg7[%get3A_806, %get3A_807] {strides = array<i32>} : memref<200x128xf32, #tpu.memory_space<vmem>>, vector<1x16xf32>,
      %get3A_809 = vector.shape_cast %get3A_808 : vector<1x16xf32> to vector<16xf32>
      %add3A_810 = arith.addf %add3A_753, %get3A_809 : vector<16xf32>
      %get3A_811 = arith.index_cast %add3A_772 : i32 to index
      %get3A_812 = arith.constant 80 : index
      %get3A_813 = tpu.vector_load %arg7[%get3A_811, %get3A_812] {strides = array<i32>} : memref<200x128xf32, #tpu.memory_space<vmem>>, vector<1x16xf32>,
      %get3A_814 = vector.shape_cast %get3A_813 : vector<1x16xf32> to vector<16xf32>
      %add3A_815 = arith.addf %add3A_758, %get3A_814 : vector<16xf32>
      %get3A_816 = arith.index_cast %add3A_772 : i32 to index
      %get3A_817 = arith.constant 96 : index
      %get3A_818 = tpu.vector_load %arg7[%get3A_816, %get3A_817] {strides = array<i32>} : memref<200x128xf32, #tpu.memory_space<vmem>>, vector<1x16xf32>,
      %get3A_819 = vector.shape_cast %get3A_818 : vector<1x16xf32> to vector<16xf32>
      %add3A_820 = arith.addf %add3A_763, %get3A_819 : vector<16xf32>
      %get3A_821 = arith.index_cast %add3A_772 : i32 to index
      %get3A_822 = arith.constant 112 : index
      %get3A_823 = tpu.vector_load %arg7[%get3A_821, %get3A_822] {strides = array<i32>} : memref<200x128xf32, #tpu.memory_space<vmem>>, vector<1x16xf32>,
      %get3A_824 = vector.shape_cast %get3A_823 : vector<1x16xf32> to vector<16xf32>
      %add3A_825 = arith.addf %add3A_768, %get3A_824 : vector<16xf32>
      %mul3A_826 = arith.constant 4 : i32
      %mul3A_827 = arith.muli %scan3A_647, %mul3A_826 : i32
      %add3A_828 = arith.constant 3 : i32
      %add3A_829 = arith.addi %mul3A_827, %add3A_828 : i32
      %dma_wait3A_830 = arith.constant 0 : i32
      %dma_wait3A_831 = tpu.memref_slice %arg7[%add3A_829, %dma_wait3A_830] : memref<200x128xf32, #tpu.memory_space<vmem>> -> memref<1x128xf32, #tpu.memory_space<vmem>>
      %dma_wait3A_832 = tpu.memref_squeeze %dma_wait3A_831 : memref<1x128xf32, #tpu.memory_space<vmem>> -> memref<128xf32, #tpu.memory_space<vmem>>
      %dma_wait3A_833 = arith.constant 0 : i32
      %dma_wait3A_834 = tpu.memref_slice %arg6[%add3A_829, %dma_wait3A_833] : memref<200x128xi32, #tpu.memory_space<vmem>> -> memref<1x128xi32, #tpu.memory_space<vmem>>
      %dma_wait3A_835 = tpu.memref_squeeze %dma_wait3A_834 : memref<1x128xi32, #tpu.memory_space<vmem>> -> memref<128xi32, #tpu.memory_space<vmem>>
      %dma_wait3A_836 = arith.constant 0 : i32
      %dma_wait3A_837 = tpu.memref_slice %arg10[%dma_wait3A_836] : memref<1000000xf32, #tpu.memory_space<vmem_shared>> -> memref<1000000xf32, #tpu.memory_space<vmem_shared>>
      tpu.wait_indirect_dma semaphore(%arg13 : memref<!tpu.dma_semaphore, #tpu.memory_space<semaphore_mem>>) src(%dma_wait3A_837 : memref<1000000xf32, #tpu.memory_space<vmem_shared>>) dst(%dma_wait3A_832 : memref<128xf32, #tpu.memory_space<vmem>>)
      %lt3A_838 = arith.constant 168 : i32
      %lt3A_839 = arith.cmpi slt, %add3A_829, %lt3A_838 : i32
      %convert_element_type3A_840 = arith.extui %lt3A_839 : i1 to i32
      %cond3A_841 = arith.constant 0 : i32
      %cond3A_842 = arith.cmpi ne, %convert_element_type3A_840, %cond3A_841 : i32
      scf.if %cond3A_842 {
        %add3A_883 = arith.constant 32 : i32
        %add3A_884 = arith.addi %add3A_829, %add3A_883 : i32
        %dma_start3A_885 = arith.constant 0 : i32
        %dma_start3A_886 = tpu.memref_slice %arg7[%add3A_884, %dma_start3A_885] : memref<200x128xf32, #tpu.memory_space<vmem>> -> memref<1x128xf32, #tpu.memory_space<vmem>>
        %dma_start3A_887 = tpu.memref_squeeze %dma_start3A_886 : memref<1x128xf32, #tpu.memory_space<vmem>> -> memref<128xf32, #tpu.memory_space<vmem>>
        %dma_start3A_888 = arith.constant 0 : i32
        %dma_start3A_889 = tpu.memref_slice %arg6[%add3A_884, %dma_start3A_888] : memref<200x128xi32, #tpu.memory_space<vmem>> -> memref<1x128xi32, #tpu.memory_space<vmem>>
        %dma_start3A_890 = tpu.memref_squeeze %dma_start3A_889 : memref<1x128xi32, #tpu.memory_space<vmem>> -> memref<128xi32, #tpu.memory_space<vmem>>
        %dma_start3A_891 = arith.constant 0 : i32
        %dma_start3A_892 = tpu.memref_slice %arg10[%dma_start3A_891] : memref<1000000xf32, #tpu.memory_space<vmem_shared>> -> memref<1000000xf32, #tpu.memory_space<vmem_shared>>
        tpu.enqueue_indirect_dma source(%dma_start3A_892 : memref<1000000xf32, #tpu.memory_space<vmem_shared>>) target(%dma_start3A_887 : memref<128xf32, #tpu.memory_space<vmem>>) offsets(%dma_start3A_890 : memref<128xi32, #tpu.memory_space<vmem>>) semaphore(%arg13 : memref<!tpu.dma_semaphore, #tpu.memory_space<semaphore_mem>>)
      } else {
      }
      %get3A_843 = arith.index_cast %add3A_829 : i32 to index
      %get3A_844 = arith.constant 0 : index
      %get3A_845 = tpu.vector_load %arg7[%get3A_843, %get3A_844] {strides = array<i32>} : memref<200x128xf32, #tpu.memory_space<vmem>>, vector<1x16xf32>,
      %get3A_846 = vector.shape_cast %get3A_845 : vector<1x16xf32> to vector<16xf32>
      %add3A_847 = arith.addf %add3A_790, %get3A_846 : vector<16xf32>
      %get3A_848 = arith.index_cast %add3A_829 : i32 to index
      %get3A_849 = arith.constant 16 : index
      %get3A_850 = tpu.vector_load %arg7[%get3A_848, %get3A_849] {strides = array<i32>} : memref<200x128xf32, #tpu.memory_space<vmem>>, vector<1x16xf32>,
      %get3A_851 = vector.shape_cast %get3A_850 : vector<1x16xf32> to vector<16xf32>
      %add3A_852 = arith.addf %add3A_795, %get3A_851 : vector<16xf32>
      %get3A_853 = arith.index_cast %add3A_829 : i32 to index
      %get3A_854 = arith.constant 32 : index
      %get3A_855 = tpu.vector_load %arg7[%get3A_853, %get3A_854] {strides = array<i32>} : memref<200x128xf32, #tpu.memory_space<vmem>>, vector<1x16xf32>,
      %get3A_856 = vector.shape_cast %get3A_855 : vector<1x16xf32> to vector<16xf32>
      %add3A_857 = arith.addf %add3A_800, %get3A_856 : vector<16xf32>
      %get3A_858 = arith.index_cast %add3A_829 : i32 to index
      %get3A_859 = arith.constant 48 : index
      %get3A_860 = tpu.vector_load %arg7[%get3A_858, %get3A_859] {strides = array<i32>} : memref<200x128xf32, #tpu.memory_space<vmem>>, vector<1x16xf32>,
      %get3A_861 = vector.shape_cast %get3A_860 : vector<1x16xf32> to vector<16xf32>
      %add3A_862 = arith.addf %add3A_805, %get3A_861 : vector<16xf32>
      %get3A_863 = arith.index_cast %add3A_829 : i32 to index
      %get3A_864 = arith.constant 64 : index
      %get3A_865 = tpu.vector_load %arg7[%get3A_863, %get3A_864] {strides = array<i32>} : memref<200x128xf32, #tpu.memory_space<vmem>>, vector<1x16xf32>,
      %get3A_866 = vector.shape_cast %get3A_865 : vector<1x16xf32> to vector<16xf32>
      %add3A_867 = arith.addf %add3A_810, %get3A_866 : vector<16xf32>
      %get3A_868 = arith.index_cast %add3A_829 : i32 to index
      %get3A_869 = arith.constant 80 : index
      %get3A_870 = tpu.vector_load %arg7[%get3A_868, %get3A_869] {strides = array<i32>} : memref<200x128xf32, #tpu.memory_space<vmem>>, vector<1x16xf32>,
      %get3A_871 = vector.shape_cast %get3A_870 : vector<1x16xf32> to vector<16xf32>
      %add3A_872 = arith.addf %add3A_815, %get3A_871 : vector<16xf32>
      %get3A_873 = arith.index_cast %add3A_829 : i32 to index
      %get3A_874 = arith.constant 96 : index
      %get3A_875 = tpu.vector_load %arg7[%get3A_873, %get3A_874] {strides = array<i32>} : memref<200x128xf32, #tpu.memory_space<vmem>>, vector<1x16xf32>,
      %get3A_876 = vector.shape_cast %get3A_875 : vector<1x16xf32> to vector<16xf32>
      %add3A_877 = arith.addf %add3A_820, %get3A_876 : vector<16xf32>
      %get3A_878 = arith.index_cast %add3A_829 : i32 to index
      %get3A_879 = arith.constant 112 : index
      %get3A_880 = tpu.vector_load %arg7[%get3A_878, %get3A_879] {strides = array<i32>} : memref<200x128xf32, #tpu.memory_space<vmem>>, vector<1x16xf32>,
      %get3A_881 = vector.shape_cast %get3A_880 : vector<1x16xf32> to vector<16xf32>
      %add3A_882 = arith.addf %add3A_825, %get3A_881 : vector<16xf32>
      scf.yield %add3A_847, %add3A_852, %add3A_857, %add3A_862, %add3A_867, %add3A_872, %add3A_877, %add3A_882 : vector<16xf32>, vector<16xf32>, vector<16xf32>, vector<16xf32>, vector<16xf32>, vector<16xf32>, vector<16xf32>, vector<16xf32>
    }
    %scan3A_528 = arith.constant 50 : i32
    %get3A = arith.constant 0 : index
    %get3A_529 = tpu.vector_load %arg9[%get3A] {strides = array<i32>} : memref<16xf32, #tpu.memory_space<vmem>>, vector<16xf32>,
    %get3A_530 = vector.shape_cast %get3A_529 : vector<16xf32> to vector<16xf32>
    %add3A_531 = arith.addf %scan3A_527#0, %get3A_530 : vector<16xf32>
    %neg3A = arith.constant 0.000000e+00 : f32
    %neg3A_532 = vector.broadcast %neg3A : f32 to vector<16xf32>
    %neg3A_533 = arith.subf %neg3A_532, %add3A_531 : vector<16xf32>
    %exp3A = math.exp %neg3A_533 : vector<16xf32>
    %add3A_534 = arith.constant 1.000000e+00 : f32
    %add3A_535 = vector.broadcast %add3A_534 : f32 to vector<16xf32>
    %add3A_536 = arith.addf %add3A_535, %exp3A : vector<16xf32>
    %div3A = arith.constant 1.000000e+00 : f32
    %div3A_537 = vector.broadcast %div3A : f32 to vector<16xf32>
    %div3A_538 = arith.divf %div3A_537, %add3A_536 : vector<16xf32>
    %swap3A = arith.constant 0 : index
    %swap3A_539 = tpu.vector_load %arg8[%swap3A] {strides = array<i32>} : memref<128xf32, #tpu.memory_space<vmem>>, vector<16xf32>,
    %swap3A_540 = vector.shape_cast %swap3A_539 : vector<16xf32> to vector<16xf32>
    %swap3A_541 = vector.shape_cast %div3A_538 : vector<16xf32> to vector<16xf32>
    tpu.vector_store %arg8[%swap3A], %swap3A_541 {strides = array<i32>} : memref<128xf32, #tpu.memory_space<vmem>>, vector<16xf32>,
    %add3A_542 = arith.addf %scan3A_527#1, %get3A_530 : vector<16xf32>
    %neg3A_543 = arith.constant 0.000000e+00 : f32
    %neg3A_544 = vector.broadcast %neg3A_543 : f32 to vector<16xf32>
    %neg3A_545 = arith.subf %neg3A_544, %add3A_542 : vector<16xf32>
    %exp3A_546 = math.exp %neg3A_545 : vector<16xf32>
    %add3A_547 = arith.constant 1.000000e+00 : f32
    %add3A_548 = vector.broadcast %add3A_547 : f32 to vector<16xf32>
    %add3A_549 = arith.addf %add3A_548, %exp3A_546 : vector<16xf32>
    %div3A_550 = arith.constant 1.000000e+00 : f32
    %div3A_551 = vector.broadcast %div3A_550 : f32 to vector<16xf32>
    %div3A_552 = arith.divf %div3A_551, %add3A_549 : vector<16xf32>
    %swap3A_553 = arith.constant 16 : index
    %swap3A_554 = tpu.vector_load %arg8[%swap3A_553] {strides = array<i32>} : memref<128xf32, #tpu.memory_space<vmem>>, vector<16xf32>,
    %swap3A_555 = vector.shape_cast %swap3A_554 : vector<16xf32> to vector<16xf32>
    %swap3A_556 = vector.shape_cast %div3A_552 : vector<16xf32> to vector<16xf32>
    tpu.vector_store %arg8[%swap3A_553], %swap3A_556 {strides = array<i32>} : memref<128xf32, #tpu.memory_space<vmem>>, vector<16xf32>,
    %add3A_557 = arith.addf %scan3A_527#2, %get3A_530 : vector<16xf32>
    %neg3A_558 = arith.constant 0.000000e+00 : f32
    %neg3A_559 = vector.broadcast %neg3A_558 : f32 to vector<16xf32>
    %neg3A_560 = arith.subf %neg3A_559, %add3A_557 : vector<16xf32>
    %exp3A_561 = math.exp %neg3A_560 : vector<16xf32>
    %add3A_562 = arith.constant 1.000000e+00 : f32
    %add3A_563 = vector.broadcast %add3A_562 : f32 to vector<16xf32>
    %add3A_564 = arith.addf %add3A_563, %exp3A_561 : vector<16xf32>
    %div3A_565 = arith.constant 1.000000e+00 : f32
    %div3A_566 = vector.broadcast %div3A_565 : f32 to vector<16xf32>
    %div3A_567 = arith.divf %div3A_566, %add3A_564 : vector<16xf32>
    %swap3A_568 = arith.constant 32 : index
    %swap3A_569 = tpu.vector_load %arg8[%swap3A_568] {strides = array<i32>} : memref<128xf32, #tpu.memory_space<vmem>>, vector<16xf32>,
    %swap3A_570 = vector.shape_cast %swap3A_569 : vector<16xf32> to vector<16xf32>
    %swap3A_571 = vector.shape_cast %div3A_567 : vector<16xf32> to vector<16xf32>
    tpu.vector_store %arg8[%swap3A_568], %swap3A_571 {strides = array<i32>} : memref<128xf32, #tpu.memory_space<vmem>>, vector<16xf32>,
    %add3A_572 = arith.addf %scan3A_527#3, %get3A_530 : vector<16xf32>
    %neg3A_573 = arith.constant 0.000000e+00 : f32
    %neg3A_574 = vector.broadcast %neg3A_573 : f32 to vector<16xf32>
    %neg3A_575 = arith.subf %neg3A_574, %add3A_572 : vector<16xf32>
    %exp3A_576 = math.exp %neg3A_575 : vector<16xf32>
    %add3A_577 = arith.constant 1.000000e+00 : f32
    %add3A_578 = vector.broadcast %add3A_577 : f32 to vector<16xf32>
    %add3A_579 = arith.addf %add3A_578, %exp3A_576 : vector<16xf32>
    %div3A_580 = arith.constant 1.000000e+00 : f32
    %div3A_581 = vector.broadcast %div3A_580 : f32 to vector<16xf32>
    %div3A_582 = arith.divf %div3A_581, %add3A_579 : vector<16xf32>
    %swap3A_583 = arith.constant 48 : index
    %swap3A_584 = tpu.vector_load %arg8[%swap3A_583] {strides = array<i32>} : memref<128xf32, #tpu.memory_space<vmem>>, vector<16xf32>,
    %swap3A_585 = vector.shape_cast %swap3A_584 : vector<16xf32> to vector<16xf32>
    %swap3A_586 = vector.shape_cast %div3A_582 : vector<16xf32> to vector<16xf32>
    tpu.vector_store %arg8[%swap3A_583], %swap3A_586 {strides = array<i32>} : memref<128xf32, #tpu.memory_space<vmem>>, vector<16xf32>,
    %add3A_587 = arith.addf %scan3A_527#4, %get3A_530 : vector<16xf32>
    %neg3A_588 = arith.constant 0.000000e+00 : f32
    %neg3A_589 = vector.broadcast %neg3A_588 : f32 to vector<16xf32>
    %neg3A_590 = arith.subf %neg3A_589, %add3A_587 : vector<16xf32>
    %exp3A_591 = math.exp %neg3A_590 : vector<16xf32>
    %add3A_592 = arith.constant 1.000000e+00 : f32
    %add3A_593 = vector.broadcast %add3A_592 : f32 to vector<16xf32>
    %add3A_594 = arith.addf %add3A_593, %exp3A_591 : vector<16xf32>
    %div3A_595 = arith.constant 1.000000e+00 : f32
    %div3A_596 = vector.broadcast %div3A_595 : f32 to vector<16xf32>
    %div3A_597 = arith.divf %div3A_596, %add3A_594 : vector<16xf32>
    %swap3A_598 = arith.constant 64 : index
    %swap3A_599 = tpu.vector_load %arg8[%swap3A_598] {strides = array<i32>} : memref<128xf32, #tpu.memory_space<vmem>>, vector<16xf32>,
    %swap3A_600 = vector.shape_cast %swap3A_599 : vector<16xf32> to vector<16xf32>
    %swap3A_601 = vector.shape_cast %div3A_597 : vector<16xf32> to vector<16xf32>
    tpu.vector_store %arg8[%swap3A_598], %swap3A_601 {strides = array<i32>} : memref<128xf32, #tpu.memory_space<vmem>>, vector<16xf32>,
    %add3A_602 = arith.addf %scan3A_527#5, %get3A_530 : vector<16xf32>
    %neg3A_603 = arith.constant 0.000000e+00 : f32
    %neg3A_604 = vector.broadcast %neg3A_603 : f32 to vector<16xf32>
    %neg3A_605 = arith.subf %neg3A_604, %add3A_602 : vector<16xf32>
    %exp3A_606 = math.exp %neg3A_605 : vector<16xf32>
    %add3A_607 = arith.constant 1.000000e+00 : f32
    %add3A_608 = vector.broadcast %add3A_607 : f32 to vector<16xf32>
    %add3A_609 = arith.addf %add3A_608, %exp3A_606 : vector<16xf32>
    %div3A_610 = arith.constant 1.000000e+00 : f32
    %div3A_611 = vector.broadcast %div3A_610 : f32 to vector<16xf32>
    %div3A_612 = arith.divf %div3A_611, %add3A_609 : vector<16xf32>
    %swap3A_613 = arith.constant 80 : index
    %swap3A_614 = tpu.vector_load %arg8[%swap3A_613] {strides = array<i32>} : memref<128xf32, #tpu.memory_space<vmem>>, vector<16xf32>,
    %swap3A_615 = vector.shape_cast %swap3A_614 : vector<16xf32> to vector<16xf32>
    %swap3A_616 = vector.shape_cast %div3A_612 : vector<16xf32> to vector<16xf32>
    tpu.vector_store %arg8[%swap3A_613], %swap3A_616 {strides = array<i32>} : memref<128xf32, #tpu.memory_space<vmem>>, vector<16xf32>,
    %add3A_617 = arith.addf %scan3A_527#6, %get3A_530 : vector<16xf32>
    %neg3A_618 = arith.constant 0.000000e+00 : f32
    %neg3A_619 = vector.broadcast %neg3A_618 : f32 to vector<16xf32>
    %neg3A_620 = arith.subf %neg3A_619, %add3A_617 : vector<16xf32>
    %exp3A_621 = math.exp %neg3A_620 : vector<16xf32>
    %add3A_622 = arith.constant 1.000000e+00 : f32
    %add3A_623 = vector.broadcast %add3A_622 : f32 to vector<16xf32>
    %add3A_624 = arith.addf %add3A_623, %exp3A_621 : vector<16xf32>
    %div3A_625 = arith.constant 1.000000e+00 : f32
    %div3A_626 = vector.broadcast %div3A_625 : f32 to vector<16xf32>
    %div3A_627 = arith.divf %div3A_626, %add3A_624 : vector<16xf32>
    %swap3A_628 = arith.constant 96 : index
    %swap3A_629 = tpu.vector_load %arg8[%swap3A_628] {strides = array<i32>} : memref<128xf32, #tpu.memory_space<vmem>>, vector<16xf32>,
    %swap3A_630 = vector.shape_cast %swap3A_629 : vector<16xf32> to vector<16xf32>
    %swap3A_631 = vector.shape_cast %div3A_627 : vector<16xf32> to vector<16xf32>
    tpu.vector_store %arg8[%swap3A_628], %swap3A_631 {strides = array<i32>} : memref<128xf32, #tpu.memory_space<vmem>>, vector<16xf32>,
    %add3A_632 = arith.addf %scan3A_527#7, %get3A_530 : vector<16xf32>
    %neg3A_633 = arith.constant 0.000000e+00 : f32
    %neg3A_634 = vector.broadcast %neg3A_633 : f32 to vector<16xf32>
    %neg3A_635 = arith.subf %neg3A_634, %add3A_632 : vector<16xf32>
    %exp3A_636 = math.exp %neg3A_635 : vector<16xf32>
    %add3A_637 = arith.constant 1.000000e+00 : f32
    %add3A_638 = vector.broadcast %add3A_637 : f32 to vector<16xf32>
    %add3A_639 = arith.addf %add3A_638, %exp3A_636 : vector<16xf32>
    %div3A_640 = arith.constant 1.000000e+00 : f32
    %div3A_641 = vector.broadcast %div3A_640 : f32 to vector<16xf32>
    %div3A_642 = arith.divf %div3A_641, %add3A_639 : vector<16xf32>
    %swap3A_643 = arith.constant 112 : index
    %swap3A_644 = tpu.vector_load %arg8[%swap3A_643] {strides = array<i32>} : memref<128xf32, #tpu.memory_space<vmem>>, vector<16xf32>,
    %swap3A_645 = vector.shape_cast %swap3A_644 : vector<16xf32> to vector<16xf32>
    %swap3A_646 = vector.shape_cast %div3A_642 : vector<16xf32> to vector<16xf32>
    tpu.vector_store %arg8[%swap3A_643], %swap3A_646 {strides = array<i32>} : memref<128xf32, #tpu.memory_space<vmem>>, vector<16xf32>,
    "tpu.region"() ({
      %run_scoped3A = tpu.sem_alloc : memref<!tpu.dma_semaphore, #tpu.memory_space<semaphore_mem>>
      %dma_start3A_647 = tpu.memref_slice %arg5[%mul3A_2] : memref<4096xf32, #tpu.memory_space<hbm>> -> memref<128xf32, #tpu.memory_space<hbm>>
      %dma_start3A_648 = tpu.memref_slice %arg5[%mul3A_2] : memref<4096xf32, #tpu.memory_space<hbm>> -> memref<128xf32, #tpu.memory_space<hbm>>
      tpu.enqueue_dma source(%arg8 : memref<128xf32, #tpu.memory_space<vmem>>) target(%dma_start3A_648 : memref<128xf32, #tpu.memory_space<hbm>>) target_semaphore(%run_scoped3A : memref<!tpu.dma_semaphore, #tpu.memory_space<semaphore_mem>>)
      %dma_wait3A_649 = tpu.memref_slice %arg5[%mul3A_2] : memref<4096xf32, #tpu.memory_space<hbm>> -> memref<128xf32, #tpu.memory_space<hbm>>
      %dma_wait3A_650 = tpu.memref_slice %arg5[%mul3A_2] : memref<4096xf32, #tpu.memory_space<hbm>> -> memref<128xf32, #tpu.memory_space<hbm>>
      tpu.wait_dma2 semaphore(%run_scoped3A : memref<!tpu.dma_semaphore, #tpu.memory_space<semaphore_mem>>) src(%arg8 : memref<128xf32, #tpu.memory_space<vmem>>) dst(%dma_wait3A_650 : memref<128xf32, #tpu.memory_space<hbm>>)
      tpu.yield
    }) : () -> ()
    return
  }
}

module attributes {stable_mosaic.version = 14 : i64} {
  func.func @_proj_body(%arg0: i32, %arg1: memref<64x32768xf32, #tpu.memory_space<vmem>>, %arg2: memref<64x1xf32, #tpu.memory_space<vmem>>, %arg3: memref<32768xf32, #tpu.memory_space<vmem>>) attributes {dimension_semantics = [#tpu.dimension_semantics<arbitrary>], iteration_bounds = array<i64: 31>, scalar_prefetch = 0 : i64, scratch_operands = 0 : i64, tpu.core_type = #tpu.core_type<tc>, window_params = [{transform_indices = @transform_0, window_bounds = array<i64: 64, 32768>}, {pipeline_mode = #tpu.pipeline_mode<synchronous>, transform_indices = @transform_1, window_bounds = array<i64: 64, 1>}, {transform_indices = @transform_2, window_bounds = array<i64: 32768>}]} {
    %get3A = arith.constant 0 : index
    %get3A_0 = arith.constant 0 : index
    %get3A_1 = vector.load %arg1[%get3A, %get3A_0] : memref<64x32768xf32, #tpu.memory_space<vmem>>, vector<64x32768xf32>
    %get3A_2 = arith.constant 0 : index
    %get3A_3 = arith.constant 0 : index
    %get3A_4 = vector.load %arg2[%get3A_2, %get3A_3] : memref<64x1xf32, #tpu.memory_space<vmem>>, vector<64x1xf32>
    %mul3A = vector.broadcast %get3A_4 : vector<64x1xf32> to vector<64x32768xf32>
    %mul3A_5 = arith.mulf %get3A_1, %mul3A : vector<64x32768xf32>
    %reduce_sum3A = arith.constant dense<0.000000e+00> : vector<32768xf32>
    %reduce_sum3A_6 = vector.multi_reduction <add>, %mul3A_5, %reduce_sum3A [0] : vector<64x32768xf32> to vector<32768xf32>
    %swap3A = arith.constant 0 : index
    %swap3A_7 = vector.load %arg3[%swap3A] : memref<32768xf32, #tpu.memory_space<vmem>>, vector<32768xf32>
    tpu.vector_store %arg3[%swap3A], %reduce_sum3A_6 {strides = array<i32>} : memref<32768xf32, #tpu.memory_space<vmem>>, vector<32768xf32>,
    return
  }
  func.func @transform_0(%arg0: i32) -> (i32, i32) {
    %c0_i32 = arith.constant 0 : i32
    %c0_i32_0 = arith.constant 0 : i32
    return %c0_i32, %arg0 : i32, i32
  }
  func.func @transform_1(%arg0: i32) -> (i32, i32) {
    %c0_i32 = arith.constant 0 : i32
    %c0_i32_0 = arith.constant 0 : i32
    %c0_i32_1 = arith.constant 0 : i32
    return %c0_i32, %c0_i32_0 : i32, i32
  }
  func.func @transform_2(%arg0: i32) -> i32 {
    %c0_i32 = arith.constant 0 : i32
    return %arg0 : i32
  }
}

</mosaic_0001>

<sc_bundles>
// kernel: kernel.4.cloned.1.call-start
scs
__scs_entry_jumppad:
0x0: {  	(pc) =	sbr.rel $0x88, $3  }
0x1: {  	(tag) =	ssettag $0x0;
	lr =	simm.s32 $0x1  }
0x2: {  	[smem:$0x3F9D] =	sst lr;
	_ =	strace $0xD0000000  }
0x3: {  	_ = 	snop  }
0x4: {  	_ = 	snop  }
0x5: {  	_ = 	snop  }
0x6: {  	_ = 	snop  }
0x7: {  	_ = 	snop  }
__scs_overlays_trampoline_lowered:
0x8: {  	[smem:$0x3FAC] =	sst s0  }
0x9: {  	[smem:$0x3FAD] =	sst s1  }
0xa: {  	[smem:$0x3FAE] =	sst s2  }
0xb: {  	[smem:$0x3FAF] =	sst s3  }
0xc: {  	[smem:$0x3FB0] =	sst s4  }
0xd: {  	[smem:$0x3FB1] =	sst s5  }
0xe: {  	[smem:$0x3FB2] =	sst s6  }
0xf: {  	[smem:$0x3FB3] =	sst s7  }
0x10: {  	[smem:$0x3FB4] =	sst s8  }
0x11: {  	[smem:$0x3FB5] =	sst s9;
	s0 =	simm.s32 @!p0 $0x0  }
0x12: {  	s1 =	sld [smem:$0x3F9B];
	s0 =	simm.s32 @p0 $0x1  }
0x13: {  	[smem:$0x3FB6] =	sst s0;
	s0 =	simm.s32 @!p1 $0x0  }
0x14: {  	s2 =	sld [smem:$0x3F9A];
	s0 =	simm.s32 @p1 $0x1  }
0x15: {  	[smem:$0x3FB7] =	sst s0;
	s0 =	simm.s32 @!p2 $0x0  }
0x16: {  	s3 =	sld [smem:$0x3FDB];
	s0 =	simm.s32 @p2 $0x1  }
0x17: {  	s4 =	simm.s32 $0x1BF5;
	[smem:$0x3FB9] =	sst s0  }
0x18: {  	s0 =	sld [smem:$0x3F9C];
	_ =	swait.ge [sflag:s4], $0x0  }
0x19: {  	s7 =	sld [smem:$0x3F9D]  }
0x1a: {  	s8 =	sadd.s32 $0xFFFFE003, lr  }
0x1b: {  	s9 =	sadd.s32 $0xFFFFFEF7, lr;
	s5 =	simm.s32 $0xFFFFFFFF;
	p2 =	slt.u32 s8, $0xFFFFF086  }
0x1c: {  	p1 =	slt.u32 s9, $0xF7A;
	s5 =	simm.s32 @!p2 $0x0  }
0x1d: {  	s5 =	simm.s32 @p1 $0x1;
	p0 =	seq.s32 s7, s2  }
0x1e: {  	s7 =	smul.u32 @!p0 $0xF7A, s2;
	p2 =	seq.s32 @!p0 s5, $0x0  }
0x1f: {  	s9 =	smul.u32 $0xF7A, s1;
	s8 =	simm.s32 @!p0 $0x1BF5;
	p2 =	por !p2, p0  }
0x20: {  	[sflag:s8] =	ssyncset.s32 @!p0 $0xFFFFF086;
	s6 =	sadd.s32 @!p0 s3, s7;
	s7 =	simm.s32 @!p0 $0x108  }
0x21: {  	s3 =	sadd.s32 s3, s9;
	s6 =	sadd.s32 @!p0 $0x88, s6;
	s7 =	simm.s32 @p2 $0x1082  }
0x22: {  	[simem:s7], [sflag:s8] =	dma.local @!p0 [hbm:s6], $0xF7A  }
0x23: {  	s9 =	sor.u32 $0xD0000000, s2;
	s6 =	simm.s32 $0x108;
	_ =	swait.ge @!p0 [sflag:s8], $0x0  }
0x24: {  	s3 =	sadd.s32 $0x88, s3;
	s6 =	simm.s32 @!p1 $0x1082;
	[sflag:s4] =	ssyncset.s32 $0xFFFFF086  }
0x25: {  	[simem:s6], [sflag:s4] =	dma.local [hbm:s3], $0xF7A  }
0x26: {  	[smem:$0x3F9D] =	sst s1;
	(tag) =	ssettag s2;
	_ =	strace s9  }
0x27: {  	s1 =	sld [smem:$0x3FAD]  }
0x28: {  	s2 =	sld [smem:$0x3FAE]  }
0x29: {  	s4 =	sld [smem:$0x3FB0]  }
0x2a: {  	p0 =	seq.s32 s5, $0x0;
	s5 =	sld [smem:$0x3FB1]  }
0x2b: {  	s6 =	sld [smem:$0x3FB2]  }
0x2c: {  	s7 =	sld [smem:$0x3FB3]  }
0x2d: {  	s3 =	simm.s32 $0x108;
	s8 =	sld [smem:$0x3FB4]  }
0x2e: {  	s3 =	simm.s32 @!p0 $0x1082;
	s9 =	sld [smem:$0x3FB5]  }
0x2f: {  	lr =	sadd.s32 s0, s3;
	s0 =	sld [smem:$0x3FAC]  }
0x30: {  	s3 =	sld [smem:$0x3FAF]  }
0x31: {  	[smem:$0x3FB8] =	sst s10  }
0x32: {  	s10 =	sld [smem:$0x3FB6];
	_ =	sdelay $0x3  }
0x33: {  	p0 =	seq.s32 s10, $0x1;
	s10 =	sld [smem:$0x3FB8];
	_ =	sdelay $0x3  }
0x34: {  	[smem:$0x3FB8] =	sst s10  }
0x35: {  	s10 =	sld [smem:$0x3FB7];
	_ =	sdelay $0x3  }
0x36: {  	p1 =	seq.s32 s10, $0x1;
	s10 =	sld [smem:$0x3FB8];
	_ =	sdelay $0x3  }
0x37: {  	[smem:$0x3FB8] =	sst s10  }
0x38: {  	s10 =	sld [smem:$0x3FB9]  }
0x39: {  	_ = 	snop;
	(pc) =	sbr.ind lr, $3  }
0x3a: {  	_ = 	snop  }
0x3b: {  	_ = 	snop  }
0x3c: {  	p2 =	seq.s32 s10, $0x1;
	s10 =	sld [smem:$0x3FB8]  }
0x3d: {  	_ =	shalt  }
0x3e: {  	_ =	shalt  }
0x3f: {  	_ =	shalt  }
0x40: {  	_ =	shalt  }
0x41: {  	_ =	shalt  }
0x42: {  	_ =	shalt  }
0x43: {  	_ =	shalt  }
0x44: {  	_ =	shalt  }
0x45: {  	_ =	shalt  }
0x46: {  	_ =	shalt  }
0x47: {  	_ =	shalt  }
0x48: {  	_ =	shalt  }
0x49: {  	_ =	shalt  }
0x4a: {  	_ =	shalt  }
0x4b: {  	_ =	shalt  }
0x4c: {  	_ =	shalt  }
0x4d: {  	_ =	shalt  }
0x4e: {  	_ =	shalt  }
0x4f: {  	_ =	shalt  }
0x50: {  	_ =	shalt  }
0x51: {  	_ =	shalt  }
0x52: {  	_ =	shalt  }
0x53: {  	_ =	shalt  }
0x54: {  	_ =	shalt  }
0x55: {  	_ =	shalt  }
0x56: {  	_ =	shalt  }
0x57: {  	_ =	shalt  }
0x58: {  	_ =	shalt  }
0x59: {  	_ =	shalt  }
0x5a: {  	_ =	shalt  }
0x5b: {  	_ =	shalt  }
0x5c: {  	_ =	shalt  }
0x5d: {  	_ =	shalt  }
0x5e: {  	_ =	shalt  }
0x5f: {  	_ =	shalt  }
0x60: {  	_ =	shalt  }
0x61: {  	_ =	shalt  }
0x62: {  	_ =	shalt  }
0x63: {  	_ =	shalt  }
0x64: {  	_ =	shalt  }
0x65: {  	_ =	shalt  }
0x66: {  	_ =	shalt  }
0x67: {  	_ =	shalt  }
0x68: {  	_ =	shalt  }
0x69: {  	_ =	shalt  }
0x6a: {  	_ =	shalt  }
0x6b: {  	_ =	shalt  }
0x6c: {  	_ =	shalt  }
0x6d: {  	_ =	shalt  }
0x6e: {  	_ =	shalt  }
0x6f: {  	_ =	shalt  }
0x70: {  	_ =	shalt  }
0x71: {  	_ =	shalt  }
0x72: {  	_ =	shalt  }
0x73: {  	_ =	shalt  }
0x74: {  	_ =	shalt  }
0x75: {  	_ =	shalt  }
0x76: {  	_ =	shalt  }
0x77: {  	_ =	shalt  }
0x78: {  	_ =	shalt  }
0x79: {  	_ =	shalt  }
0x7a: {  	_ =	shalt  }
0x7b: {  	_ =	shalt  }
0x7c: {  	_ =	shalt  }
0x7d: {  	_ =	shalt  }
0x7e: {  	_ =	shalt  }
0x7f: {  	_ =	shalt  }
0x80: {  	_ =	shalt  }
0x81: {  	_ =	shalt  }
0x82: {  	_ =	shalt  }
0x83: {  	_ =	shalt  }
0x84: {  	_ =	shalt  }
0x85: {  	_ =	shalt  }
0x86: {  	_ =	shalt  }
0x87: {  	_ =	shalt  }
.Lfunc_end0:
.L_simem_size_0:
called_computation_lowered:
.L_overlay_start_0:
0x88: {  	s2 =	sld [smem:$0x3FD9]  }
0x89: {  	s3 =	sld [smem:$0x3FFE];
	_ =	sdelay $0x1  }
0x8a: {  	s1 =	srdreg.scid  }
0x8b: {  	s0 =	sand.u32 $0x1, s1  }
0x8c: {  	s17 =	sshll.u32 s0, $0xA;
	s2 =	sadd.s32 s3, s2  }
0x8d: {  	s2 =	sadd.s32 s2, s17  }
0x8e: {  	[smem:$0x3FC4] =	sst s2  }
0x8f: {  	_ = 	snop  }
0x90: {  	s2 =	sld [smem:$0x3FC9]  }
0x91: {  	s18 =	sld [smem:$0x3FD0];
	(tm) =	ssettm $0x1  }
0x92: {  	s4 =	sld [smem:$0x3FFB];
	_ =	sdelay $0x3  }
0x93: {  	_ =	strace s4  }
0x94: {  	s4 =	sld [smem:$0x3FFC];
	_ =	sdelay $0x3  }
0x95: {  	_ =	strace s4  }
0x96: {  	s4 =	sld [smem:$0x3FFD];
	_ =	sdelay $0x3  }
0x97: {  	_ =	strace s4  }
0x98: {  	_ =	strace $0x8FFFFFFF  }
0x99: {  	s19 =	sld [smem:$0x3FDB];
	_ =	sdelay $0x1  }
0x9a: {  	s5 =	simm.s32 $_scs_section_size  }
0x9b: {  	s6 =	simm.s32 $_size__tile_overlayer_lowered;
	s7 =	simm.s32 $_tile_overlayer_lowered  }
0x9c: {  	s22 =	simm.s32 $0x1BFF;
	s21 =	sshll.u32 s7, $0x1;
	s4 =	sadd.s32 s5, s19  }
0x9d: {  	s8 =	simm.s32 $0x0;
	s20 =	sshll.u32 s6, $0x1;
	s6 =	sadd.s32 s21, s4  }
0x9e: {  	[timem:s8], [sflag:s22] =	dma.local [hbm:s6], s20  }
0x9f: {  	_ =	swait.ge [sflag:s22], s20  }
0xa0: {  	s5 =	ssub.s32 $0x0, s20;
	[sflag:s22] =	ssyncset.done $0x0  }
0xa1: {  	[sflag:s22] =	ssyncadd.s32 s5;
	_ =	sdelay $0x1  }
0xa2: {  	s23 =	simm.s32 $0x1B8B  }
0xa3: {  	_ =	swait.ge [sflag:s23], $0x1  }
0xa4: {  	[sflag:s23] =	ssyncset.done $0x0  }
0xa5: {  	s25 =	simm.s32 $0x1B8E;
	s24 =	sld [smem:$0x3FFE];
	[sflag:s23] =	ssyncadd.s32 $0xFFFFFFFF  }
0xa6: {  	s26 =	simm.s32 $execute0_lowered;
	[smem:$0x3FD2] =	sst s25  }
0xa7: {  	s6 =	sshll.u32 s26, $0x1;
	_ =	strace $0x80000046;
	[dreg:$0x1] =	wrdreg $0xFFFFFFFF  }
0xa8: {  	s28 =	simm.s32 $_size_execute0_lowered;
	s4 =	sadd.s32 s4, s6;
	[dreg:$0x0] =	wrdreg $0x0  }
0xa9: {  	s6 =	sshll.u32 s28, $0x1;
	[dreg:$0x2] =	wrdreg s4  }
0xaa: {  	[dreg:$0x3] =	wrdreg s6  }
0xab: {  	[dreg:$0x4] =	wrdreg $0xC0  }
0xac: {  	_ =	task [dreg:s8], $0x5FFFF  }
0xad: {  	[dreg:$0x1] =	wrdreg $0xFFFFFFFF  }
0xae: {  	[dreg:$0x0] =	wrdreg $0x60  }
0xaf: {  	[dreg:$0x2] =	wrdreg s24  }
0xb0: {  	[dreg:$0x3] =	wrdreg s2  }
0xb1: {  	[dreg:$0x4] =	wrdreg s18  }
0xb2: {  	[dreg:$0x5] =	wrdreg $0xC9000  }
0xb3: {  	[dreg:$0x6] =	wrdreg $0x9  }
0xb4: {  	_ =	task.clear_ibuf [dreg:s8], $0x7FFFF;
	_ =	strace $0x90000046  }
0xb5: {  	s29 =	simm.s32 $0x9;
	_ =	strace $0x80000048  }
0xb6: {  	_ =	swait.ge [sflag:s29], $0x1  }
0xb7: {  	[sflag:s29] =	ssyncadd.s32 $0xFFFFFFFF  }
0xb8: {  	_ =	strace $0x90000048  }
0xb9: {  	_ =	sfence  }
0xba: {  	s30 =	sld [smem:$0x0];
	_ =	sdelay $0x2  }
0xbb: {  	s31 =	sshll.u32 s1, $0xD;
	s1 =	sshrl.u32 s1, $0x2  }
0xbc: {  	s3 =	sand.u32 $0x4000, s31;
	s1 =	sadd.s32 s1, s30  }
0xbd: {  	s0 =	sor.u32 s3, s0;
	s1 =	sshll.u32 s1, $0x11  }
0xbe: {  	s0 =	sor.u32 s1, s0  }
0xbf: {  	s0 =	sadd.s32 $0x8F2B, s0  }
0xc0: {  	[sflag:s0] =	ssyncadd.remote.s32 $0x1  }
0xc1: {  	_ =	sfence.sel $0xFFFF  }
0xc2: {  	[dreg:$0x0] =	wrdreg $0xFFFFFFFF;
	(pc) =	sbr.abs _section_cstart, $3  }
0xc3: {  	[dreg:$0x1] =	wrdreg $0xFFFFFFFF  }
0xc4: {  	_ =	task.clear_ibuf [dreg:s8], $0x2FFFF;
	_ =	strace $0x9FFFFFFF  }
0xc5: {  	(tm) =	ssettm $0x7FFFFFFF  }
tec
execute0_lowered:
.L_overlay_start_1:
0x0: {  	(tag) =	ssettag $0x1  }
0x1: {  	s0 =	rddreg [dreg:$0x0]  }
0x2: {  	s3 =	rddreg [dreg:$0x1]  }
0x3: {  	s4 =	rddreg [dreg:$0x2]  }
0x4: {  	s1 =	rddreg [dreg:$0x3];
	s2 =	simm.s32 $0x0  }
0x5: {  	s5 =	srdreg.scid;
	s6 =	stileid.u32;
	s29 =	simm.s32 $0x1BD28  }
0x6: {  	s30 =	simm.s32 $0x2;
	s31 =	simm.s32 $0x1DBA8;
	s28 =	simm.s32 $0x80  }
0x7: {  	[smem:$0x7FF] =	sst s2;
	s5 =	sand.u32 $0x1, s5;
	s9 =	sshll.u32 s6, $0x1  }
0x8: {  	s13 =	smul.u32 $0xF400, s6;
	s11 =	sadd.s32 $0x600, s0;
	p0 =	sne.s32 s6, $0x0  }
0x9: {  	_ =	strace $0x80000047;
	s7 =	ssub.s32 $0x2, s5;
	s5 =	sor.u32 s5, s9  }
0xa: {  	s8 =	sshrl.u32 s7, $0x1;
	s25 =	sshll.u32 s5, $0x7;
	s26 =	sshrl.u32 s13, $0x3  }
0xb: {  	s14 =	sadd.s32 $0x1E80, s13;
	s15 =	sadd.s32 $0x3D00, s13;
	s16 =	sadd.s32 $0x5B80, s13  }
0xc: {  	s17 =	sadd.s32 $0x7A00, s13;
	s7 =	ssub.s32 s7, s8;
	s3 =	sadd.s32 s3, s25  }
0xd: {  	s10 =	sadd.s32 s11, s26;
	s12 =	sshrl.u32 s14, $0x3;
	s18 =	sshrl.u32 s15, $0x3  }
0xe: {  	s20 =	sshrl.u32 s17, $0x3;
	s25 =	sadd.s32 $0x1F000, s0;
	s14 =	sadd.s32 s14, s1  }
0xf: {  	s15 =	sadd.s32 s15, s1;
	s17 =	sadd.s32 s17, s1;
	[dreg:$0x5] =	wrdreg s3  }
0x10: {  	s26 =	sshll.u32 s5, $0x4;
	s5 =	simm.s32 $0x0;
	[dreg:$0x6] =	wrdreg s10  }
0x11: {  	s3 =	sadd.s32 s11, s12;
	s10 =	sshrl.u32 s16, $0x3;
	[dreg:$0xe] =	wrdreg s25  }
0x12: {  	s9 =	sadd.s32 s11, s18;
	s18 =	sadd.s32 $0x9880, s13;
	[dreg:$0x7] =	wrdreg s3  }
0x13: {  	s16 =	sadd.s32 s16, s1;
	s25 =	simm.s32 $0x400;
	[dreg:$0x8] =	wrdreg s9  }
0x14: {  	s19 =	sadd.s32 s11, s10;
	s9 =	sadd.s32 s11, s20;
	s21 =	sshrl.u32 s18, $0x3  }
0x15: {  	s20 =	sadd.s32 $0xD580, s13;
	s18 =	sadd.s32 s18, s1;
	[dreg:$0x9] =	wrdreg s19  }
0x16: {  	s3 =	simm.s32 $0x1;
	[dreg:$0xa] =	wrdreg s9;
	s19 =	sadd.s32 $0xB700, s13  }
0x17: {  	s9 =	sadd.s32 s11, s21;
	s12 =	sshrl.u32 s20, $0x3;
	s13 =	sadd.s32 s13, s1  }
0x18: {  	s20 =	sadd.s32 s20, s1;
	s21 =	sadd.s32 $0x1EE00, s0;
	s0 =	simm.s32 $0x3  }
0x19: {  	s22 =	sshrl.u32 s19, $0x3;
	[dreg:$0xb] =	wrdreg s9;
	s24 =	sadd.s32 s11, s12  }
0x1a: {  	s19 =	sadd.s32 s19, s1;
	s23 =	sadd.s32 s11, s22;
	[dreg:$0xd] =	wrdreg s24  }
0x1b: {  	s22 =	sadd.s32 s4, s26;
	s24 =	smax.u32 s7, $0x1;
	s26 =	simm.s32 $0x4  }
0x1c: {  	s4 =	simm.s32 $0x5;
	[dreg:$0xc] =	wrdreg s23;
	s23 =	sadd.s32 $0xF4000, s1  }
.LBB2_1:
0x1d: {  	s6 =	rddreg [dreg:$0x5];
	s7 =	simm.s32 $0x8000  }
0x1e: {  	[tilespmem:s2], [sflag:$0x4] =	stream.strided.gather [hbm4b:s6+s25], $0x6400, s7, s25, $0x38;
	[tilespmem:$0x1FA28] =	vst v63  }
0x1f: {  	s8 =	simm.s32 $0xC880;
	s7 =	rddreg [dreg:$0xe]  }
0x20: {  	[tilespmem:s8], [sflag:$0x4] =	stream.linear.gather [hbm4b:s7+s2], $0x80, $0x38;
	[tilespmem:$0x1FA28] =	vst v63  }
0x21: {  	s9 =	rddreg [dreg:$0x6]  }
0x22: {  	[tilespmem:s29], [sflag:$0x2] =	stream.linear.gather [hbm4b:s9+s2], $0x1E80, $0x38;
	[tilespmem:$0x1FA28] =	vst v63  }
0x23: {  	_ =	swait.ge [sflag:s30], $0x1E80  }
0x24: {  	[sflag:s30] =	ssyncset.done $0x0  }
0x25: {  	[sflag:s30] =	ssyncadd.s32 $0xFFFFE180  }
0x26: {  	[spmem:s13] =	stream.linear.scatter [tilespmem:s29], [sflag:$0x3], $0x1E80, $0x38;
	[tilespmem:$0x1FA28] =	vst v63  }
0x27: {  	s10 =	rddreg [dreg:$0x7]  }
0x28: {  	[tilespmem:s31], [sflag:$0x2] =	stream.linear.gather [hbm4b:s10+s2], $0x1E80, $0x38;
	[tilespmem:$0x1FA28] =	vst v63  }
0x29: {  	_ =	swait.ge [sflag:s30], $0x1E80  }
0x2a: {  	[sflag:s30] =	ssyncset.done $0x0  }
0x2b: {  	[sflag:s30] =	ssyncadd.s32 $0xFFFFE180  }
0x2c: {  	_ =	swait.ge [sflag:s0], $0x1E80  }
0x2d: {  	[sflag:s0] =	ssyncset.done $0x0  }
0x2e: {  	[sflag:s0] =	ssyncadd.s32 $0xFFFFE180  }
0x2f: {  	[spmem:s14] =	stream.linear.scatter [tilespmem:s31], [sflag:$0x3], $0x1E80, $0x38;
	[tilespmem:$0x1FA28] =	vst v63  }
0x30: {  	s11 =	rddreg [dreg:$0x8]  }
0x31: {  	[tilespmem:s29], [sflag:$0x2] =	stream.linear.gather [hbm4b:s11+s2], $0x1E80, $0x38;
	[tilespmem:$0x1FA28] =	vst v63  }
0x32: {  	_ =	swait.ge [sflag:s30], $0x1E80  }
0x33: {  	[sflag:s30] =	ssyncset.done $0x0  }
0x34: {  	[sflag:s30] =	ssyncadd.s32 $0xFFFFE180  }
0x35: {  	_ =	swait.ge [sflag:s0], $0x1E80  }
0x36: {  	[sflag:s0] =	ssyncset.done $0x0  }
0x37: {  	[sflag:s0] =	ssyncadd.s32 $0xFFFFE180  }
0x38: {  	[spmem:s15] =	stream.linear.scatter [tilespmem:s29], [sflag:$0x3], $0x1E80, $0x38;
	[tilespmem:$0x1FA28] =	vst v63  }
0x39: {  	s12 =	rddreg [dreg:$0x9]  }
0x3a: {  	[tilespmem:s31], [sflag:$0x2] =	stream.linear.gather [hbm4b:s12+s2], $0x1E80, $0x38;
	[tilespmem:$0x1FA28] =	vst v63  }
0x3b: {  	_ =	swait.ge [sflag:s30], $0x1E80  }
0x3c: {  	[sflag:s30] =	ssyncset.done $0x0  }
0x3d: {  	[sflag:s30] =	ssyncadd.s32 $0xFFFFE180  }
0x3e: {  	_ =	swait.ge [sflag:s0], $0x1E80  }
0x3f: {  	[sflag:s0] =	ssyncset.done $0x0  }
0x40: {  	[sflag:s0] =	ssyncadd.s32 $0xFFFFE180  }
0x41: {  	[spmem:s16] =	stream.linear.scatter [tilespmem:s31], [sflag:$0x3], $0x1E80, $0x38;
	[tilespmem:$0x1FA28] =	vst v63  }
0x42: {  	s7 =	rddreg [dreg:$0xa]  }
0x43: {  	[tilespmem:s29], [sflag:$0x2] =	stream.linear.gather [hbm4b:s7+s2], $0x1E80, $0x38;
	[tilespmem:$0x1FA28] =	vst v63  }
0x44: {  	_ =	swait.ge [sflag:s30], $0x1E80  }
0x45: {  	[sflag:s30] =	ssyncset.done $0x0  }
0x46: {  	[sflag:s30] =	ssyncadd.s32 $0xFFFFE180  }
0x47: {  	_ =	swait.ge [sflag:s0], $0x1E80  }
0x48: {  	[sflag:s0] =	ssyncset.done $0x0  }
0x49: {  	[sflag:s0] =	ssyncadd.s32 $0xFFFFE180  }
0x4a: {  	[spmem:s17] =	stream.linear.scatter [tilespmem:s29], [sflag:$0x3], $0x1E80, $0x38;
	[tilespmem:$0x1FA28] =	vst v63  }
0x4b: {  	s8 =	rddreg [dreg:$0xb]  }
0x4c: {  	[tilespmem:s31], [sflag:$0x2] =	stream.linear.gather [hbm4b:s8+s2], $0x1E80, $0x38;
	[tilespmem:$0x1FA28] =	vst v63  }
0x4d: {  	_ =	swait.ge [sflag:s30], $0x1E80  }
0x4e: {  	[sflag:s30] =	ssyncset.done $0x0  }
0x4f: {  	[sflag:s30] =	ssyncadd.s32 $0xFFFFE180  }
0x50: {  	_ =	swait.ge [sflag:s0], $0x1E80  }
0x51: {  	[sflag:s0] =	ssyncset.done $0x0  }
0x52: {  	[sflag:s0] =	ssyncadd.s32 $0xFFFFE180  }
0x53: {  	[spmem:s18] =	stream.linear.scatter [tilespmem:s31], [sflag:$0x3], $0x1E80, $0x38;
	[tilespmem:$0x1FA28] =	vst v63  }
0x54: {  	s9 =	rddreg [dreg:$0xc]  }
0x55: {  	[tilespmem:s29], [sflag:$0x2] =	stream.linear.gather [hbm4b:s9+s2], $0x1E80, $0x38;
	[tilespmem:$0x1FA28] =	vst v63  }
0x56: {  	_ =	swait.ge [sflag:s30], $0x1E80  }
0x57: {  	[sflag:s30] =	ssyncset.done $0x0  }
0x58: {  	[sflag:s30] =	ssyncadd.s32 $0xFFFFE180  }
0x59: {  	_ =	swait.ge [sflag:s0], $0x1E80  }
0x5a: {  	[sflag:s0] =	ssyncset.done $0x0  }
0x5b: {  	[sflag:s0] =	ssyncadd.s32 $0xFFFFE180  }
0x5c: {  	[spmem:s19] =	stream.linear.scatter [tilespmem:s29], [sflag:$0x3], $0x1E80, $0x38;
	[tilespmem:$0x1FA28] =	vst v63  }
0x5d: {  	s10 =	rddreg [dreg:$0xd]  }
0x5e: {  	[tilespmem:s31], [sflag:$0x2] =	stream.linear.gather [hbm4b:s10+s2], $0x1E80, $0x38;
	[tilespmem:$0x1FA28] =	vst v63  }
0x5f: {  	_ =	swait.ge [sflag:s30], $0x1E80  }
0x60: {  	[sflag:s30] =	ssyncset.done $0x0  }
0x61: {  	[sflag:s30] =	ssyncadd.s32 $0xFFFFE180  }
0x62: {  	_ =	swait.ge [sflag:s0], $0x1E80  }
0x63: {  	[sflag:s0] =	ssyncset.done $0x0  }
0x64: {  	[sflag:s0] =	ssyncadd.s32 $0xFFFFE180  }
0x65: {  	[spmem:s20] =	stream.linear.scatter [tilespmem:s31], [sflag:$0x3], $0x1E80, $0x38;
	[tilespmem:$0x1FA28] =	vst v63  }
0x66: {  	_ =	swait.ge [sflag:s0], $0x1E80  }
0x67: {  	[sflag:s0] =	ssyncset.done $0x0  }
0x68: {  	s6 =	simm.s32 @!p0 $0x0;
	s7 =	simm.s32 @!p0 $0x1BD28;
	[sflag:s0] =	ssyncadd.s32 $0xFFFFE180  }
0x69: {  	[tilespmem:s7], [sflag:$0x5] =	stream.linear.gather @!p0 [hbm4b:s21+s6], $0x240, $0x38;
	[tilespmem:$0x1FA28] =	vst v63  }
0x6a: {  	s6 =	simm.s32 @!p0 $0x5  }
0x6b: {  	_ =	swait.ge @!p0 [sflag:s6], $0x240  }
0x6c: {  	[sflag:s6] =	ssyncset.done @!p0 $0x0  }
0x6d: {  	[sflag:s6] =	ssyncadd.s32 @!p0 $0xFFFFFDC0  }
0x6e: {  	[spmem:s23] =	stream.linear.scatter @!p0 [tilespmem:s7], [sflag:$0x5], $0x240, $0x38;
	[tilespmem:$0x1FA28] =	vst v63  }
0x6f: {  	_ =	swait.ge @!p0 [sflag:s6], $0x240  }
0x70: {  	[sflag:s6] =	ssyncset.done @!p0 $0x0  }
0x71: {  	[sflag:s6] =	ssyncadd.s32 @!p0 $0xFFFFFDC0  }
0x72: {  	_ =	swait.ge [sflag:s26], $0x6400  }
0x73: {  	[sflag:s26] =	ssyncset.done $0x0  }
0x74: {  	[sflag:s26] =	ssyncadd.s32 $0xFFFF9C00  }
0x75: {  	_ =	swait.ge [sflag:s26], $0x80  }
0x76: {  	[sflag:s26] =	ssyncset.done $0x0  }
0x77: {  	[sflag:s26] =	ssyncadd.s32 $0xFFFFFF80  }
0x78: {  	s11 =	simm.s32 $0x6400;
	[bflag:$0x0] =	sbarrier.arrive $0xFFFF  }
0x79: {  	[tilespmem:s11], [sflag:$0x1] =	stream.indirect.gather [spmem:s1], $0x1, s2, s28, $0xb8;
	[tilespmem:$0x1FA28] =	vst v63  }
0x7a: {  	s12 =	simm.s32 $0x6480  }
0x7b: {  	[tilespmem:s12], [sflag:$0x1] =	stream.indirect.gather [spmem:s1], $0x1, s28, s28, $0xb8;
	[tilespmem:$0x1FA28] =	vst v63  }
0x7c: {  	s8 =	simm.s32 $0x6500;
	s7 =	simm.s32 $0x100  }
0x7d: {  	[tilespmem:s8], [sflag:$0x1] =	stream.indirect.gather [spmem:s1], $0x1, s7, s28, $0xb8;
	[tilespmem:$0x1FA28] =	vst v63  }
0x7e: {  	s9 =	simm.s32 $0x180;
	s10 =	simm.s32 $0x6580  }
0x7f: {  	[tilespmem:s10], [sflag:$0x1] =	stream.indirect.gather [spmem:s1], $0x1, s9, s28, $0xb8;
	[tilespmem:$0x1FA28] =	vst v63  }
0x80: {  	s11 =	simm.s32 $0x200;
	s12 =	simm.s32 $0x6600  }
0x81: {  	[tilespmem:s12], [sflag:$0x1] =	stream.indirect.gather [spmem:s1], $0x1, s11, s28, $0xb8;
	[tilespmem:$0x1FA28] =	vst v63  }
0x82: {  	s7 =	simm.s32 $0x280;
	s8 =	simm.s32 $0x6680  }
0x83: {  	[tilespmem:s8], [sflag:$0x1] =	stream.indirect.gather [spmem:s1], $0x1, s7, s28, $0xb8;
	[tilespmem:$0x1FA28] =	vst v63  }
0x84: {  	s9 =	simm.s32 $0x300;
	s10 =	simm.s32 $0x6700  }
0x85: {  	[tilespmem:s10], [sflag:$0x1] =	stream.indirect.gather [spmem:s1], $0x1, s9, s28, $0xb8;
	[tilespmem:$0x1FA28] =	vst v63  }
0x86: {  	s11 =	simm.s32 $0x380;
	s12 =	simm.s32 $0x6780  }
0x87: {  	[tilespmem:s12], [sflag:$0x1] =	stream.indirect.gather [spmem:s1], $0x1, s11, s28, $0xb8;
	[tilespmem:$0x1FA28] =	vst v63  }
0x88: {  	s8 =	simm.s32 $0x6800  }
0x89: {  	[tilespmem:s8], [sflag:$0x1] =	stream.indirect.gather [spmem:s1], $0x1, s25, s28, $0xb8;
	[tilespmem:$0x1FA28] =	vst v63  }
0x8a: {  	s9 =	simm.s32 $0x480;
	s10 =	simm.s32 $0x6880  }
0x8b: {  	[tilespmem:s10], [sflag:$0x1] =	stream.indirect.gather [spmem:s1], $0x1, s9, s28, $0xb8;
	[tilespmem:$0x1FA28] =	vst v63  }
0x8c: {  	s11 =	simm.s32 $0x500;
	s12 =	simm.s32 $0x6900  }
0x8d: {  	[tilespmem:s12], [sflag:$0x1] =	stream.indirect.gather [spmem:s1], $0x1, s11, s28, $0xb8;
	[tilespmem:$0x1FA28] =	vst v63  }
0x8e: {  	s7 =	simm.s32 $0x580;
	s8 =	simm.s32 $0x6980  }
0x8f: {  	[tilespmem:s8], [sflag:$0x1] =	stream.indirect.gather [spmem:s1], $0x1, s7, s28, $0xb8;
	[tilespmem:$0x1FA28] =	vst v63  }
0x90: {  	s9 =	simm.s32 $0x600;
	s10 =	simm.s32 $0x6A00  }
0x91: {  	[tilespmem:s10], [sflag:$0x1] =	stream.indirect.gather [spmem:s1], $0x1, s9, s28, $0xb8;
	[tilespmem:$0x1FA28] =	vst v63  }
0x92: {  	s11 =	simm.s32 $0x680;
	s12 =	simm.s32 $0x6A80  }
0x93: {  	[tilespmem:s12], [sflag:$0x1] =	stream.indirect.gather [spmem:s1], $0x1, s11, s28, $0xb8;
	[tilespmem:$0x1FA28] =	vst v63  }
0x94: {  	s7 =	simm.s32 $0x700;
	s8 =	simm.s32 $0x6B00  }
0x95: {  	[tilespmem:s8], [sflag:$0x1] =	stream.indirect.gather [spmem:s1], $0x1, s7, s28, $0xb8;
	[tilespmem:$0x1FA28] =	vst v63  }
0x96: {  	s9 =	simm.s32 $0x780;
	s10 =	simm.s32 $0x6B80  }
0x97: {  	[tilespmem:s10], [sflag:$0x1] =	stream.indirect.gather [spmem:s1], $0x1, s9, s28, $0xb8;
	[tilespmem:$0x1FA28] =	vst v63  }
0x98: {  	s11 =	simm.s32 $0x800;
	s12 =	simm.s32 $0x6C00  }
0x99: {  	[tilespmem:s12], [sflag:$0x1] =	stream.indirect.gather [spmem:s1], $0x1, s11, s28, $0xb8;
	[tilespmem:$0x1FA28] =	vst v63  }
0x9a: {  	s7 =	simm.s32 $0x880;
	s8 =	simm.s32 $0x6C80  }
0x9b: {  	[tilespmem:s8], [sflag:$0x1] =	stream.indirect.gather [spmem:s1], $0x1, s7, s28, $0xb8;
	[tilespmem:$0x1FA28] =	vst v63  }
0x9c: {  	s9 =	simm.s32 $0x900;
	s10 =	simm.s32 $0x6D00  }
0x9d: {  	[tilespmem:s10], [sflag:$0x1] =	stream.indirect.gather [spmem:s1], $0x1, s9, s28, $0xb8;
	[tilespmem:$0x1FA28] =	vst v63  }
0x9e: {  	s11 =	simm.s32 $0x980;
	s12 =	simm.s32 $0x6D80  }
0x9f: {  	[tilespmem:s12], [sflag:$0x1] =	stream.indirect.gather [spmem:s1], $0x1, s11, s28, $0xb8;
	[tilespmem:$0x1FA28] =	vst v63  }
0xa0: {  	s7 =	simm.s32 $0xA00;
	s8 =	simm.s32 $0x6E00  }
0xa1: {  	[tilespmem:s8], [sflag:$0x1] =	stream.indirect.gather [spmem:s1], $0x1, s7, s28, $0xb8;
	[tilespmem:$0x1FA28] =	vst v63  }
0xa2: {  	s9 =	simm.s32 $0xA80;
	s10 =	simm.s32 $0x6E80  }
0xa3: {  	[tilespmem:s10], [sflag:$0x1] =	stream.indirect.gather [spmem:s1], $0x1, s9, s28, $0xb8;
	[tilespmem:$0x1FA28] =	vst v63  }
0xa4: {  	s11 =	simm.s32 $0xB00;
	s12 =	simm.s32 $0x6F00  }
0xa5: {  	[tilespmem:s12], [sflag:$0x1] =	stream.indirect.gather [spmem:s1], $0x1, s11, s28, $0xb8;
	[tilespmem:$0x1FA28] =	vst v63  }
0xa6: {  	s7 =	simm.s32 $0xB80;
	s8 =	simm.s32 $0x6F80  }
0xa7: {  	[tilespmem:s8], [sflag:$0x1] =	stream.indirect.gather [spmem:s1], $0x1, s7, s28, $0xb8;
	[tilespmem:$0x1FA28] =	vst v63  }
0xa8: {  	s9 =	simm.s32 $0xC00;
	s10 =	simm.s32 $0x7000  }
0xa9: {  	[tilespmem:s10], [sflag:$0x1] =	stream.indirect.gather [spmem:s1], $0x1, s9, s28, $0xb8;
	[tilespmem:$0x1FA28] =	vst v63  }
0xaa: {  	s11 =	simm.s32 $0xC80;
	s12 =	simm.s32 $0x7080  }
0xab: {  	[tilespmem:s12], [sflag:$0x1] =	stream.indirect.gather [spmem:s1], $0x1, s11, s28, $0xb8;
	[tilespmem:$0x1FA28] =	vst v63  }
0xac: {  	s7 =	simm.s32 $0xD00;
	s8 =	simm.s32 $0x7100  }
0xad: {  	[tilespmem:s8], [sflag:$0x1] =	stream.indirect.gather [spmem:s1], $0x1, s7, s28, $0xb8;
	[tilespmem:$0x1FA28] =	vst v63  }
0xae: {  	s9 =	simm.s32 $0xD80;
	s10 =	simm.s32 $0x7180  }
0xaf: {  	[tilespmem:s10], [sflag:$0x1] =	stream.indirect.gather [spmem:s1], $0x1, s9, s28, $0xb8;
	[tilespmem:$0x1FA28] =	vst v63  }
0xb0: {  	s11 =	simm.s32 $0xE00;
	s12 =	simm.s32 $0x7200  }
0xb1: {  	[tilespmem:s12], [sflag:$0x1] =	stream.indirect.gather [spmem:s1], $0x1, s11, s28, $0xb8;
	[tilespmem:$0x1FA28] =	vst v63  }
0xb2: {  	s7 =	simm.s32 $0xE80;
	s8 =	simm.s32 $0x7280  }
0xb3: {  	[tilespmem:s8], [sflag:$0x1] =	stream.indirect.gather [spmem:s1], $0x1, s7, s28, $0xb8;
	[tilespmem:$0x1FA28] =	vst v63  }
0xb4: {  	s6 =	simm.s32 $0x0;
	s9 =	simm.s32 $0xF00;
	s10 =	simm.s32 $0x7300  }
0xb5: {  	v0 =	vimm.f32 $0.0e+00;
	v1 =	vimm.f32 $0.0e+00;
	[tilespmem:s10], [sflag:$0x1] =	stream.indirect.gather [spmem:s1], $0x1, s9, s28, $0xb8;
	[tilespmem:$0x1FA28] =	vst v63  }
0xb6: {  	v2 =	vimm.f32 $0.0e+00;
	v3 =	vimm.f32 $0.0e+00;
	v4 =	vimm.f32 $0.0e+00;
	s11 =	simm.s32 $0xF80;
	s12 =	simm.s32 $0x7380;
	s7 =	simm.s32 $0x0  }
0xb7: {  	v5 =	vimm.f32 $0.0e+00;
	v6 =	vimm.f32 $0.0e+00;
	v7 =	vimm.f32 $0.0e+00;
	[tilespmem:s12], [sflag:$0x1] =	stream.indirect.gather [spmem:s1], $0x1, s11, s28, $0xb8;
	[tilespmem:$0x1FA28] =	vst v63  }
.LBB2_2:
0xb8: {  	_ =	swait.ge [sflag:s3], $0x80;
	p1 =	sgt.u32 s7, $0x29  }
0xb9: {  	[sflag:s3] =	ssyncset.done $0x0;
	s9 =	sshra.s32 @!p1 s6, $0x2;
	s11 =	simm.s32 @!p1 $0x80  }
0xba: {  	[sflag:s3] =	ssyncadd.s32 $0xFFFFFF80;
	s8 =	sadd.s32 @!p1 $0x7400, s9;
	s10 =	sadd.s32 @!p1 $0x1000, s9  }
0xbb: {  	[tilespmem:s8], [sflag:$0x1] =	stream.indirect.gather @!p1 [spmem:s1], $0x1, s10, s11, $0xb8;
	[tilespmem:$0x1FA28] =	vst v63  }
0xbc: {  	s8 =	sshra.s32 s6, $0x2  }
0xbd: {  	v8 =	vld [tilespmem:s8+$0x6400]  }
0xbe: {  	v9 =	vld [tilespmem:s8+$0x6410]  }
0xbf: {  	v10 =	vld [tilespmem:s8+$0x6420]  }
0xc0: {  	v11 =	vld [tilespmem:s8+$0x6430]  }
0xc1: {  	v12 =	vld [tilespmem:s8+$0x6440]  }
0xc2: {  	v13 =	vld [tilespmem:s8+$0x6450]  }
0xc3: {  	v14 =	vld [tilespmem:s8+$0x6460]  }
0xc4: {  	v15 =	vld [tilespmem:s8+$0x6470];
	_ =	swait.ge [sflag:s3], $0x80  }
0xc5: {  	[sflag:s3] =	ssyncset.done $0x0  }
0xc6: {  	s12 =	sadd.s32 @!p1 $0x1080, s9;
	s10 =	sadd.s32 @!p1 $0x7480, s9;
	[sflag:s3] =	ssyncadd.s32 $0xFFFFFF80  }
0xc7: {  	[tilespmem:s10], [sflag:$0x1] =	stream.indirect.gather @!p1 [spmem:s1], $0x1, s12, s11, $0xb8;
	[tilespmem:$0x1FA28] =	vst v63  }
0xc8: {  	v16 =	vld [tilespmem:s8+$0x6480]  }
0xc9: {  	v17 =	vld [tilespmem:s8+$0x6490]  }
0xca: {  	v18 =	vld [tilespmem:s8+$0x64A0]  }
0xcb: {  	v19 =	vld [tilespmem:s8+$0x64B0]  }
0xcc: {  	v20 =	vld [tilespmem:s8+$0x64C0]  }
0xcd: {  	v21 =	vld [tilespmem:s8+$0x64D0]  }
0xce: {  	v22 =	vld [tilespmem:s8+$0x64E0]  }
0xcf: {  	v23 =	vld [tilespmem:s8+$0x64F0];
	_ =	swait.ge [sflag:s3], $0x80  }
0xd0: {  	[sflag:s3] =	ssyncset.done $0x0  }
0xd1: {  	s10 =	sadd.s32 @!p1 $0x7500, s9;
	s12 =	sadd.s32 @!p1 $0x1100, s9;
	[sflag:s3] =	ssyncadd.s32 $0xFFFFFF80  }
0xd2: {  	[tilespmem:s10], [sflag:$0x1] =	stream.indirect.gather @!p1 [spmem:s1], $0x1, s12, s11, $0xb8;
	[tilespmem:$0x1FA28] =	vst v63  }
0xd3: {  	v24 =	vld [tilespmem:s8+$0x6500]  }
0xd4: {  	v25 =	vld [tilespmem:s8+$0x6510]  }
0xd5: {  	v26 =	vld [tilespmem:s8+$0x6520]  }
0xd6: {  	v27 =	vld [tilespmem:s8+$0x6530]  }
0xd7: {  	v28 =	vld [tilespmem:s8+$0x6540]  }
0xd8: {  	v29 =	vld [tilespmem:s8+$0x6550]  }
0xd9: {  	v30 =	vld [tilespmem:s8+$0x6560]  }
0xda: {  	v31 =	vld [tilespmem:s8+$0x6570];
	_ =	swait.ge [sflag:s3], $0x80  }
0xdb: {  	v7 =	vadd.f32 v8, v7;
	v6 =	vadd.f32 v9, v6;
	[sflag:s3] =	ssyncset.done $0x0  }
0xdc: {  	v5 =	vadd.f32 v10, v5;
	v4 =	vadd.f32 v11, v4;
	s10 =	sadd.s32 @!p1 $0x7580, s9;
	s9 =	sadd.s32 @!p1 $0x1180, s9;
	[sflag:s3] =	ssyncadd.s32 $0xFFFFFF80  }
0xdd: {  	v3 =	vadd.f32 v12, v3;
	v2 =	vadd.f32 v13, v2;
	[tilespmem:s10], [sflag:$0x1] =	stream.indirect.gather @!p1 [spmem:s1], $0x1, s9, s11, $0xb8;
	[tilespmem:$0x1FA28] =	vst v63  }
0xde: {  	v1 =	vadd.f32 v14, v1;
	v0 =	vadd.f32 v15, v0;
	v8 =	vld [tilespmem:s8+$0x6580]  }
0xdf: {  	v7 =	vadd.f32 v16, v7;
	v6 =	vadd.f32 v17, v6;
	v57 =	vld [tilespmem:s8+$0x6590]  }
0xe0: {  	v5 =	vadd.f32 v18, v5;
	v4 =	vadd.f32 v19, v4;
	v58 =	vld [tilespmem:s8+$0x65A0]  }
0xe1: {  	v3 =	vadd.f32 v20, v3;
	v2 =	vadd.f32 v21, v2;
	v59 =	vld [tilespmem:s8+$0x65B0]  }
0xe2: {  	v1 =	vadd.f32 v22, v1;
	v0 =	vadd.f32 v23, v0;
	v60 =	vld [tilespmem:s8+$0x65C0]  }
0xe3: {  	v61 =	vld [tilespmem:s8+$0x65D0];
	v7 =	vadd.f32 v24, v7;
	v6 =	vadd.f32 v25, v6  }
0xe4: {  	s6 =	sadd.s32 $0x800, s6;
	v62 =	vld [tilespmem:s8+$0x65E0];
	v5 =	vadd.f32 v26, v5;
	v4 =	vadd.f32 v27, v4  }
0xe5: {  	p1 =	sne.s32 s6, $0x19000;
	v63 =	vld [tilespmem:s8+$0x65F0];
	v3 =	vadd.f32 v28, v3;
	v2 =	vadd.f32 v29, v2  }
.Ltmp0:
0xe6: {  	v1 =	vadd.f32 v30, v1;
	v0 =	vadd.f32 v31, v0;
	(pc) =	sbr.rel @p1 .LBB2_2-.Ltmp0, $4  }
0xe7: {  	v7 =	vadd.f32 v8, v7;
	v6 =	vadd.f32 v57, v6  }
0xe8: {  	v5 =	vadd.f32 v58, v5;
	v4 =	vadd.f32 v59, v4  }
0xe9: {  	v3 =	vadd.f32 v60, v3;
	v2 =	vadd.f32 v61, v2  }
0xea: {  	s7 =	sadd.s32 $0x1, s7;
	v1 =	vadd.f32 v62, v1;
	v0 =	vadd.f32 v63, v0  }
0xeb: {  	v8 =	vld [tilespmem:$0xC880];
	_ =	sdelay $0x4  }
0xec: {  	v7 =	vadd.f32 v8, v7;
	_ =	sdelay $0x1  }
0xed: {  	v7 =	vsub.f32 $0.0e+00, v7;
	_ =	sdelay $0x1  }
0xee: {  	v7 =	vmul.f32 $1.442695020e+00, v7;
	_ =	sdelay $0x1  }
0xef: {  	(erf) = vpow2.f32 v7;
	_ =	sdelay $0x6  }
0xf0: {  	v6 =	vadd.f32 v8, v6;
	_ =	sdelay $0x1  }
0xf1: {  	v6 =	vsub.f32 $0.0e+00, v6;
	v7 =	vpop (erf)  }
0xf2: {  	v7 =	vadd.f32 $1.000000000e+00, v7  }
0xf3: {  	v6 =	vmul.f32 $1.442695020e+00, v6  }
0xf4: {  	(erf) = vrcp.f32 v7  }
0xf5: {  	(erf) = vpow2.f32 v6;
	_ =	sdelay $0x6  }
0xf6: {  	v5 =	vadd.f32 v8, v5  }
0xf7: {  	v49 =	vpop (erf)  }
0xf8: {  	v5 =	vsub.f32 $0.0e+00, v5;
	v50 =	vpop (erf)  }
0xf9: {  	v7 =	vadd.f32 $1.000000000e+00, v50  }
0xfa: {  	v5 =	vmul.f32 $1.442695020e+00, v5  }
0xfb: {  	(erf) = vrcp.f32 v7  }
0xfc: {  	(erf) = vpow2.f32 v5;
	_ =	sdelay $0x6  }
0xfd: {  	v4 =	vadd.f32 v8, v4  }
0xfe: {  	v51 =	vpop (erf)  }
0xff: {  	v4 =	vsub.f32 $0.0e+00, v4;
	v52 =	vpop (erf)  }
0x100: {  	v7 =	vadd.f32 $1.000000000e+00, v52  }
0x101: {  	v4 =	vmul.f32 $1.442695020e+00, v4  }
0x102: {  	(erf) = vrcp.f32 v7  }
0x103: {  	(erf) = vpow2.f32 v4;
	_ =	sdelay $0x6  }
0x104: {  	v3 =	vadd.f32 v8, v3  }
0x105: {  	v53 =	vpop (erf)  }
0x106: {  	v3 =	vsub.f32 $0.0e+00, v3;
	v54 =	vpop (erf)  }
0x107: {  	v7 =	vadd.f32 $1.000000000e+00, v54  }
0x108: {  	v3 =	vmul.f32 $1.442695020e+00, v3  }
0x109: {  	(erf) = vrcp.f32 v7  }
0x10a: {  	(erf) = vpow2.f32 v3;
	_ =	sdelay $0x6  }
0x10b: {  	v2 =	vadd.f32 v8, v2  }
0x10c: {  	v55 =	vpop (erf)  }
0x10d: {  	v2 =	vsub.f32 $0.0e+00, v2;
	v56 =	vpop (erf)  }
0x10e: {  	v7 =	vadd.f32 $1.000000000e+00, v56  }
0x10f: {  	v2 =	vmul.f32 $1.442695020e+00, v2  }
0x110: {  	(erf) = vrcp.f32 v7  }
0x111: {  	(erf) = vpow2.f32 v2;
	_ =	sdelay $0x6  }
0x112: {  	v1 =	vadd.f32 v8, v1  }
0x113: {  	v57 =	vpop (erf)  }
0x114: {  	v1 =	vsub.f32 $0.0e+00, v1;
	v58 =	vpop (erf)  }
0x115: {  	v7 =	vadd.f32 $1.000000000e+00, v58  }
0x116: {  	v1 =	vmul.f32 $1.442695020e+00, v1  }
0x117: {  	(erf) = vrcp.f32 v7  }
0x118: {  	(erf) = vpow2.f32 v1;
	_ =	sdelay $0x6  }
0x119: {  	v0 =	vadd.f32 v8, v0  }
0x11a: {  	v59 =	vpop (erf)  }
0x11b: {  	v0 =	vsub.f32 $0.0e+00, v0;
	v60 =	vpop (erf)  }
0x11c: {  	v7 =	vadd.f32 $1.000000000e+00, v60  }
0x11d: {  	v0 =	vmul.f32 $1.442695020e+00, v0  }
0x11e: {  	(erf) = vrcp.f32 v7  }
0x11f: {  	(erf) = vpow2.f32 v0;
	_ =	sdelay $0x7  }
0x120: {  	v61 =	vpop (erf)  }
0x121: {  	v62 =	vpop (erf)  }
0x122: {  	v7 =	vadd.f32 $1.000000000e+00, v62;
	_ =	sdelay $0x1  }
0x123: {  	(erf) = vrcp.f32 v7;
	_ =	sdelay $0x2  }
0x124: {  	[tilespmem:$0xC800] =	vst v49  }
0x125: {  	[tilespmem:$0xC810] =	vst v51  }
0x126: {  	[tilespmem:$0xC820] =	vst v53  }
0x127: {  	[tilespmem:$0xC830] =	vst v55  }
0x128: {  	[tilespmem:$0xC840] =	vst v57  }
0x129: {  	s5 =	sadd.s32 $0x1, s5;
	[tilespmem:$0xC850] =	vst v59  }
0x12a: {  	p1 =	sne.s32 s5, s24;
	[tilespmem:$0xC860] =	vst v61;
	v63 =	vpop (erf)  }
.Ltmp1:
0x12b: {  	s6 =	simm.s32 $0xC800;
	[tilespmem:$0xC870] =	vst v63;
	(pc) =	sbr.rel @p1 .LBB2_1-.Ltmp1, $4  }
0x12c: {  	[hbm4b:s22+s2] =	stream.linear.scatter [tilespmem:s6], [sflag:$0x5], $0x80, $0x38;
	[tilespmem:$0x1FA28] =	vst v63  }
0x12d: {  	_ =	swait.ge [sflag:s4], $0x80  }
0x12e: {  	[sflag:s4] =	ssyncset.done $0x0  }
0x12f: {  	[sflag:s4] =	ssyncadd.s32 $0xFFFFFF80  }
0x130: {  	_ =	sfence.sel $0x180000  }
0x131: {  	[bflag:$0x0] =	sbarrier.arrive $0xFFFF  }
0x132: {  	_ =	strace $0x90000047  }
0x133: {  	[bflag:$0x2] =	sbarrier.arrive $0xFFFF  }
0x134: {  	s0 =	rddreg [dreg:$0x4]  }
0x135: {  	s0 =	sadd.s32 @!p0 $0x100000, s0  }
0x136: {  	[sflag:s0] =	ssyncadd.tile.s32 @!p0 $0x1;
	_ =	shalt  }
.Lfunc_end2:
_tile_overlayer_lowered:
.L_overlay_start_2:
0x137: {  	(tag) =	ssettag $0x2  }
0x138: {  	s0 =	rddreg [dreg:$0x0];
	s2 =	stileid.u32  }
0x139: {  	s1 =	rddreg [dreg:$0x1];
	p0 =	sne.s32 s2, $0x0  }
0x13a: {  	s3 =	rddreg [dreg:$0x2];
	[bflag:$0x3] =	sbarrier.arrive $0xFFFF;
	s2 =	simm.s32 @!p0 $0x1C05  }
0x13b: {  	[timem:s3], [sflag:s2] =	dma.local @!p0 [hbm:s0], s1  }
0x13c: {  	s0 =	simm.s32 @!p0 $0x5  }
0x13d: {  	_ =	swait.ge @!p0 [sflag:s0], s1  }
0x13e: {  	s1 =	ssub.s32 @!p0 $0x0, s1;
	[sflag:s0] =	ssyncset.done @!p0 $0x0  }
0x13f: {  	[sflag:s0] =	ssyncadd.s32 @!p0 s1  }
0x140: {  	[bflag:$0x3] =	sbarrier.arrive $0xFFFF  }
0x141: {  	_ =	shalt  }

</sc_bundles>
